<compile_context>
chip_gen: v7x
topology: tpu7x:2x2x1
jax: 0.10.2.dev20260603
libtpu: 0.0.44.dev20260713+nightly
codegen_flags: <defaults>
</compile_context>

<pallas_src>
import functools
import numpy as np
import jax
import jax.numpy as jnp
from jax import lax
from jax.experimental import pallas as pl
from jax.experimental.pallas import tpu as pltpu
from jax.experimental.pallas import tpu_sc as plsc

B, C, H, W = 256, 768, 14, 14
E = 16
K = 2
FREQ_BINS = 8
FREQ_DIM = 64
NOISE_STD = 1.0 / E
HW = H * W
NF = 128
NB = 8
NW = 32
RPW = B // NW


def _build_dft():
    rep_col = {}
    cols = []
    rep_of = np.zeros(HW, np.int32)
    for h in range(H):
        for w in range(W):
            pair = ((H - h) % H, (W - w) % W)
            rep = min((h, w), pair)
            if rep not in rep_col:
                rep_col[rep] = len(cols)
                cols.append(rep)
            rep_of[h * W + w] = rep_col[rep]
    ii, jj = np.meshgrid(np.arange(H), np.arange(W), indexing="ij")
    fi = ii.reshape(-1).astype(np.float64)
    fj = jj.reshape(-1).astype(np.float64)
    M = np.zeros((HW, 2 * NF), np.float32)
    for k, (h, w) in enumerate(cols):
        ang = 2.0 * np.pi * (h * fi + w * fj) / H
        M[:, k] = (np.cos(ang) / HW).astype(np.float32)
        M[:, NF + k] = (-np.sin(ang) / HW).astype(np.float32)
    onehot = np.zeros((NF, HW), np.float32)
    onehot[rep_of, np.arange(HW)] = 1.0
    return M, onehot


_DFT_M, _REP_ONEHOT = _build_dft()


def _bin_weights():
    y = jnp.arange(-(H // 2), H // 2)
    xx = jnp.arange(-(W // 2), W // 2)
    gy, gx = jnp.meshgrid(y, xx, indexing="ij")
    grid = jnp.stack([gy, gx], axis=-1).astype(jnp.float32)
    fd = jnp.linalg.norm(grid, axis=-1)
    edges = jnp.linspace(0.0, fd.max(), FREQ_BINS + 1)
    masks = [((fd >= edges[i]) & (fd < edges[i + 1])).reshape(HW)
             for i in range(FREQ_BINS)]
    mm = jnp.stack(masks, axis=-1).astype(jnp.float32)
    return jnp.asarray(_REP_ONEHOT) @ mm


def _energy_kernel(x_ref, m2_ref, bwt_ref, wgt_ref, img_ref, femb_ref):
    xb = x_ref[...]
    xt = jnp.transpose(xb, (1, 0, 2))
    pooled = []
    ens = []
    for n in range(NB):
        xn = xt[n]
        y = jnp.dot(m2_ref[...], xn,
                    preferred_element_type=jnp.float32)
        re = y[:NF, :]
        im = y[NF:, :]
        mag = jnp.sqrt(re * re + im * im)
        en = jnp.dot(bwt_ref[...], mag,
                     preferred_element_type=jnp.float32)
        ens.append(jnp.sum(en, axis=1, keepdims=True) * (1.0 / C))
        pooled.append(y[0:1, :])
    femb_ref[...] = jnp.transpose(jnp.concatenate(ens, axis=1))
    pall = jnp.concatenate(pooled, axis=0)
    img_ref[...] = jnp.dot(pall, wgt_ref[...],
                           preferred_element_type=jnp.float32)


def _logits_kernel(img_ref, femb_ref, wf1t_ref, bf1_ref, wf2t_ref, noise_ref,
                   nl_ref, aux_ref):
    img = img_ref[...]
    femb = femb_ref[...]
    h = jnp.maximum(
        jnp.dot(femb, wf1t_ref[...], preferred_element_type=jnp.float32)
        + bf1_ref[...], 0.0)
    logits = img + jnp.dot(h, wf2t_ref[...],
                           preferred_element_type=jnp.float32)

    m = jnp.max(logits, axis=-1, keepdims=True)
    ex = jnp.exp(logits - m)
    s = ex / jnp.sum(ex, axis=-1, keepdims=True)
    imp = jnp.sum(s, axis=0, keepdims=True)
    imp_mean = jnp.sum(imp, axis=-1, keepdims=True) * (1.0 / E)
    imp_var = jnp.sum((imp - imp_mean) ** 2, axis=-1,
                      keepdims=True) * (1.0 / (E - 1))
    loss_imp = imp_var / (imp_mean + 1e-8) ** 2

    io = jax.lax.broadcasted_iota(jnp.int32, (B, E), 1)
    i1 = jnp.min(jnp.where(logits == m, io, E), axis=-1, keepdims=True)
    lmask = jnp.where(io == i1, -jnp.inf, logits)
    thr = jnp.max(lmask, axis=-1, keepdims=True)
    z = (thr - logits) * (E * 0.7071067811865476)
    p = 0.5 - 0.5 * jax.lax.erf(z)
    pm = jnp.sum(p, axis=0, keepdims=True) * (1.0 / B)
    pmm = jnp.sum(pm, axis=-1, keepdims=True) * (1.0 / E)
    pvar = jnp.sum((pm - pmm) ** 2, axis=-1,
                   keepdims=True) * (1.0 / (E - 1))
    loss_load = pvar / (pmm + 1e-8) ** 2
    aux_ref[...] = 0.5 * loss_imp + 0.5 * loss_load

    nl = logits + noise_ref[...]
    nm = jnp.max(nl, axis=-1, keepdims=True)
    nex = jnp.exp(nl - nm)
    nl_ref[...] = nex / jnp.sum(nex, axis=-1, keepdims=True)


def _route_sc_body(nl_hbm, gates_hbm, idx_hbm, vals_hbm,
                   nl_v, gates_v, idx_v, vals_v):
    wid = lax.axis_index("s") * 2 + lax.axis_index("c")
    pltpu.sync_copy(nl_hbm.at[pl.ds(wid * (RPW * E), RPW * E)], nl_v)
    io = lax.broadcasted_iota(jnp.int32, (E,), 0)
    idx_acc = jnp.zeros((E,), jnp.int32)
    vals_acc = jnp.zeros((E,), jnp.float32)
    for j in range(RPW):
        s = nl_v[pl.ds(j * E, E)]
        v1 = jnp.max(s)
        i1 = jnp.min(jnp.where(s == v1, io, E))
        s2 = jnp.where(io == i1, -1.0, s)
        v2 = jnp.max(s2)
        i2 = jnp.min(jnp.where(s2 == v2, io, E))
        gates_v[pl.ds(j * E, E)] = jnp.where((io == i1) | (io == i2), s, 0.0)
        idx_acc = jnp.where(io == 2 * j, i1,
                            jnp.where(io == 2 * j + 1, i2, idx_acc))
        vals_acc = jnp.where(io == 2 * j, v1,
                             jnp.where(io == 2 * j + 1, v2, vals_acc))
    idx_v[...] = idx_acc
    vals_v[...] = vals_acc
    pltpu.sync_copy(gates_v, gates_hbm.at[pl.ds(wid * (RPW * E), RPW * E)])
    pltpu.sync_copy(idx_v, idx_hbm.at[pl.ds(wid * (RPW * K), RPW * K)])
    pltpu.sync_copy(vals_v, vals_hbm.at[pl.ds(wid * (RPW * K), RPW * K)])


@functools.cache
def _get_route_sc():
    mesh = plsc.VectorSubcoreMesh(core_axis_name="c", subcore_axis_name="s")
    return pl.kernel(
        _route_sc_body,
        mesh=mesh,
        out_type=[
            jax.ShapeDtypeStruct((B * E,), jnp.float32),
            jax.ShapeDtypeStruct((B * K,), jnp.int32),
            jax.ShapeDtypeStruct((B * K,), jnp.float32),
        ],
        scratch_types=[
            pltpu.VMEM((RPW * E,), jnp.float32),
            pltpu.VMEM((RPW * E,), jnp.float32),
            pltpu.VMEM((RPW * K,), jnp.int32),
            pltpu.VMEM((RPW * K,), jnp.float32),
        ],
        compiler_params=pltpu.CompilerParams(needs_layout_passes=False),
    )


def kernel(x, W_gate, W_f1, b_f1, W_f2):
    x4 = jnp.transpose(x, (2, 3, 0, 1)).reshape(HW, B, C)
    m2_dev = jnp.asarray(np.ascontiguousarray(_DFT_M.T))
    bwt_dev = jnp.transpose(_bin_weights())
    wgt = W_gate.T

    img_logits, femb = pl.pallas_call(
        _energy_kernel,
        grid=(B // NB,),
        in_specs=[
            pl.BlockSpec((HW, NB, C), lambda i: (0, i, 0)),
            pl.BlockSpec((2 * NF, HW), lambda i: (0, 0)),
            pl.BlockSpec((FREQ_BINS, NF), lambda i: (0, 0)),
            pl.BlockSpec((C, E), lambda i: (0, 0)),
        ],
        out_specs=[
            pl.BlockSpec((NB, E), lambda i: (i, 0)),
            pl.BlockSpec((NB, FREQ_BINS), lambda i: (i, 0)),
        ],
        out_shape=[
            jax.ShapeDtypeStruct((B, E), jnp.float32),
            jax.ShapeDtypeStruct((B, FREQ_BINS), jnp.float32),
        ],
        compiler_params=pltpu.CompilerParams(
            dimension_semantics=("arbitrary",)),
    )(x4, m2_dev, bwt_dev, wgt)

    noise = jax.random.normal(jax.random.key(42), (B, E),
                              dtype=jnp.float32) * NOISE_STD
    nl, aux = pl.pallas_call(
        _logits_kernel,
        out_shape=[
            jax.ShapeDtypeStruct((B, E), jnp.float32),
            jax.ShapeDtypeStruct((1, 1), jnp.float32),
        ],
    )(img_logits, femb, W_f1.T, b_f1.reshape(1, FREQ_DIM), W_f2.T, noise)

    gates_f, idx_f, vals_f = _get_route_sc()(nl.reshape(-1))
    return (gates_f.reshape(B, E), idx_f.reshape(B, K),
            vals_f.reshape(B, K), aux[0, 0])

# --- scband reference (transcript-rebuilt; emitter-appended) ---
"""Pipeline reference for scband-routing-function-18442589569334 (READ-ONLY COPY).

The authoritative reference and input builder live on the scoring server;
editing this copy changes nothing except your own understanding.
"""

import jax, jax.numpy as jnp
import numpy as np
from jax.scipy.stats import norm as _norm

B, C, H, W = 256, 768, 14, 14
E = 16
K = 2
FREQ_BINS = 8
FREQ_DIM = 64
NOISE_STD = 1.0 / E


def setup_inputs(seed: int = 0):
    key = jax.random.key(seed)
    ks = jax.random.split(key, 5)
    x = jax.random.normal(ks[0], (B, C, H, W), dtype=jnp.float32)
    W_gate = jax.random.normal(ks[1], (E, C), dtype=jnp.float32) / np.sqrt(C)
    W_f1 = jax.random.normal(ks[2], (FREQ_DIM, FREQ_BINS), dtype=jnp.float32) / np.sqrt(FREQ_BINS)
    b_f1 = jnp.zeros((FREQ_DIM,), dtype=jnp.float32)
    W_f2 = jax.random.normal(ks[3], (E, FREQ_DIM), dtype=jnp.float32) / np.sqrt(FREQ_DIM)
    return {"x": x, "W_gate": W_gate, "W_f1": W_f1, "b_f1": b_f1, "W_f2": W_f2}


def get_frequency_energy(x):
    Bx, Cx, Hx, Wx = x.shape
    fft = jnp.fft.fft2(x, norm='forward')
    magnitude = jnp.abs(fft)
    y = jnp.arange(-Hx // 2, Hx // 2)
    xx = jnp.arange(-Wx // 2, Wx // 2)
    gy, gx = jnp.meshgrid(y, xx, indexing='ij')
    grid = jnp.stack([gy, gx], axis=-1).astype(jnp.float32)
    freq_dist = jnp.linalg.norm(grid, axis=-1)
    bin_edges = jnp.linspace(0.0, freq_dist.max(), FREQ_BINS + 1)
    energy_bins = []
    for i in range(FREQ_BINS):
        mask = (freq_dist >= bin_edges[i]) & (freq_dist < bin_edges[i + 1])
        energy = (magnitude * mask[None, None, :, :]).sum(axis=(-1, -2))
        energy_bins.append(energy.mean(axis=1))
    return jnp.stack(energy_bins, axis=1)


def importance_loss(gating_scores):
    importance = gating_scores.sum(axis=0)
    imp_mean = importance.mean()
    imp_std = jnp.std(importance, ddof=1)
    return (imp_std / (imp_mean + 1e-08)) ** 2


def load_loss(logits, logits_noisy, noise_std):
    thresholds = jax.lax.top_k(logits_noisy, K)[1][:, -1]
    one_hot = jax.nn.one_hot(thresholds, E, dtype=logits_noisy.dtype)
    threshold_per_item = jnp.sum(one_hot * logits_noisy, axis=-1)
    noise_required_to_win = (threshold_per_item[:, None] - logits) / noise_std
    p = 1.0 - _norm.cdf(noise_required_to_win)
    p_mean = p.mean(axis=0)
    p_mean_std = jnp.std(p_mean, ddof=1)
    p_mean_mean = p_mean.mean()
    return (p_mean_std / (p_mean_mean + 1e-08)) ** 2


def reference(x, W_gate, W_f1, b_f1, W_f2):
    freq_emb = get_frequency_energy(x)
    pooled = x.mean(axis=(2, 3))
    img_logits = pooled @ W_gate.T
    h = jax.nn.relu(freq_emb @ W_f1.T + b_f1)
    freq_logits = h @ W_f2.T
    logits = img_logits + freq_logits
    # training-mode aux losses
    loss_imp = importance_loss(jax.nn.softmax(logits, axis=-1))
    loss_load = load_loss(logits, logits, NOISE_STD)
    aux_loss = 0.5 * loss_imp + 0.5 * loss_load
    noise = jax.random.normal(jax.random.key(42), logits.shape, dtype=logits.dtype) * NOISE_STD
    noisy_logits = logits + noise
    gating_scores = jax.nn.softmax(noisy_logits, axis=-1)
    top_k_values, top_k_indices = jax.lax.top_k(gating_scores, K)
    rows = jnp.arange(logits.shape[0])[:, None]
    gates = jnp.zeros_like(logits).at[rows, top_k_indices].set(top_k_values)
    return (gates, top_k_indices, top_k_values, aux_loss)

if __name__ == "__main__":
    import jax
    _d = setup_inputs()
    print(jax.jit(kernel)(*tuple(_d.values())))

</pallas_src>

<mosaic_0001>
#map = affine_map<(d0, d1) -> (0)>
module attributes {stable_mosaic.version = 14 : i64} {
  func.func @_route_sc_body(%arg0: i32, %arg1: i32, %arg2: memref<4096xf32, #tpu.memory_space<hbm>>, %arg3: memref<4096xf32, #tpu.memory_space<hbm>>, %arg4: memref<512xi32, #tpu.memory_space<hbm>>, %arg5: memref<512xf32, #tpu.memory_space<hbm>>, %arg6: memref<128xf32, #tpu.memory_space<vmem>>, %arg7: memref<128xf32, #tpu.memory_space<vmem>>, %arg8: memref<16xi32, #tpu.memory_space<vmem>>, %arg9: memref<16xf32, #tpu.memory_space<vmem>>) attributes {dimension_semantics = [#tpu.dimension_semantics<core_parallel>, #tpu.dimension_semantics<subcore_parallel>], iteration_bounds = array<i64: 2, 16>, scalar_prefetch = 0 : i64, scratch_operands = 4 : i64, tpu.core_type = #tpu.core_type<sc_vector_subcore>, window_params = [{transform_indices = #map}, {transform_indices = #map}, {transform_indices = #map}, {transform_indices = #map}]} {
    %mul3A = arith.constant 2 : i32
    %mul3A_0 = arith.muli %arg1, %mul3A : i32
    %add3A = arith.addi %mul3A_0, %arg0 : i32
    %mul3A_1 = arith.constant 128 : i32
    %mul3A_2 = arith.muli %add3A, %mul3A_1 : i32
    "tpu.region"() ({
      %run_scoped3A = tpu.sem_alloc : memref<!tpu.dma_semaphore, #tpu.memory_space<semaphore_mem>>
      %dma_start3A = tpu.memref_slice %arg2[%mul3A_2] : memref<4096xf32, #tpu.memory_space<hbm>> -> memref<128xf32, #tpu.memory_space<hbm>>
      %dma_start3A_576 = tpu.memref_slice %arg2[%mul3A_2] : memref<4096xf32, #tpu.memory_space<hbm>> -> memref<128xf32, #tpu.memory_space<hbm>>
      tpu.enqueue_dma source(%dma_start3A_576 : memref<128xf32, #tpu.memory_space<hbm>>) target(%arg6 : memref<128xf32, #tpu.memory_space<vmem>>) target_semaphore(%run_scoped3A : memref<!tpu.dma_semaphore, #tpu.memory_space<semaphore_mem>>)
      %dma_wait3A = tpu.memref_slice %arg2[%mul3A_2] : memref<4096xf32, #tpu.memory_space<hbm>> -> memref<128xf32, #tpu.memory_space<hbm>>
      %dma_wait3A_577 = tpu.memref_slice %arg2[%mul3A_2] : memref<4096xf32, #tpu.memory_space<hbm>> -> memref<128xf32, #tpu.memory_space<hbm>>
      tpu.wait_dma2 semaphore(%run_scoped3A : memref<!tpu.dma_semaphore, #tpu.memory_space<semaphore_mem>>) src(%dma_wait3A_577 : memref<128xf32, #tpu.memory_space<hbm>>) dst(%arg6 : memref<128xf32, #tpu.memory_space<vmem>>)
      tpu.yield
    }) : () -> ()
    %iota3A = tpu.iota {dimensions = array<i32: 0>} : vector<16xi32>
    %broadcast_in_dim3A = arith.constant 0 : i32
    %broadcast_in_dim3A_3 = vector.broadcast %broadcast_in_dim3A : i32 to vector<16xi32>
    %broadcast_in_dim3A_4 = arith.constant 0.000000e+00 : f32
    %broadcast_in_dim3A_5 = vector.broadcast %broadcast_in_dim3A_4 : f32 to vector<16xf32>
    %get3A = arith.constant 0 : index
    %get3A_6 = tpu.vector_load %arg6[%get3A] {strides = array<i32>} : memref<128xf32, #tpu.memory_space<vmem>>, vector<16xf32>,
    %reduce_max3A = arith.constant true
    %reduce_max3A_7 = vector.broadcast %reduce_max3A : i1 to vector<16xi1>
    %reduce_max3A_8 = tpu.scan <max>, %get3A_6 masked %reduce_max3A_7 : vector<16xf32>, vector<16xi1> -> vector<16xf32>
    %reduce_max3A_9 = vector.extract %reduce_max3A_8[15] : f32 from vector<16xf32>
    %eq3A = vector.broadcast %reduce_max3A_9 : f32 to vector<16xf32>
    %eq3A_10 = arith.cmpf oeq, %get3A_6, %eq3A : vector<16xf32>
    %jit3A = arith.constant 16 : i32
    %broadcast_in_dim3A_11 = vector.broadcast %jit3A : i32 to vector<16xi32>
    %select_n3A = arith.select %eq3A_10, %iota3A, %broadcast_in_dim3A_11 : vector<16xi1>, vector<16xi32>
    %reduce_min3A = arith.constant true
    %reduce_min3A_12 = vector.broadcast %reduce_min3A : i1 to vector<16xi1>
    %reduce_min3A_13 = arith.constant -2147483648 : i32
    %reduce_min3A_14 = vector.broadcast %reduce_min3A_13 : i32 to vector<16xi32>
    %reduce_min3A_15 = arith.xori %select_n3A, %reduce_min3A_14 : vector<16xi32>
    %reduce_min3A_16 = tpu.scan <min>, %reduce_min3A_15 masked %reduce_min3A_12 : vector<16xi32>, vector<16xi1> -> vector<16xi32>
    %reduce_min3A_17 = arith.xori %reduce_min3A_16, %reduce_min3A_14 : vector<16xi32>
    %reduce_min3A_18 = vector.extract %reduce_min3A_17[15] : i32 from vector<16xi32>
    %eq3A_19 = vector.broadcast %reduce_min3A_18 : i32 to vector<16xi32>
    %eq3A_20 = arith.cmpi eq, %iota3A, %eq3A_19 : vector<16xi32>
    %jit3A_21 = arith.constant -1.000000e+00 : f32
    %broadcast_in_dim3A_22 = vector.broadcast %jit3A_21 : f32 to vector<16xf32>
    %select_n3A_23 = arith.select %eq3A_20, %broadcast_in_dim3A_22, %get3A_6 : vector<16xi1>, vector<16xf32>
    %reduce_max3A_24 = arith.constant true
    %reduce_max3A_25 = vector.broadcast %reduce_max3A_24 : i1 to vector<16xi1>
    %reduce_max3A_26 = tpu.scan <max>, %select_n3A_23 masked %reduce_max3A_25 : vector<16xf32>, vector<16xi1> -> vector<16xf32>
    %reduce_max3A_27 = vector.extract %reduce_max3A_26[15] : f32 from vector<16xf32>
    %eq3A_28 = vector.broadcast %reduce_max3A_27 : f32 to vector<16xf32>
    %eq3A_29 = arith.cmpf oeq, %select_n3A_23, %eq3A_28 : vector<16xf32>
    %jit3A_30 = arith.constant 16 : i32
    %broadcast_in_dim3A_31 = vector.broadcast %jit3A_30 : i32 to vector<16xi32>
    %select_n3A_32 = arith.select %eq3A_29, %iota3A, %broadcast_in_dim3A_31 : vector<16xi1>, vector<16xi32>
    %reduce_min3A_33 = arith.constant true
    %reduce_min3A_34 = vector.broadcast %reduce_min3A_33 : i1 to vector<16xi1>
    %reduce_min3A_35 = arith.constant -2147483648 : i32
    %reduce_min3A_36 = vector.broadcast %reduce_min3A_35 : i32 to vector<16xi32>
    %reduce_min3A_37 = arith.xori %select_n3A_32, %reduce_min3A_36 : vector<16xi32>
    %reduce_min3A_38 = tpu.scan <min>, %reduce_min3A_37 masked %reduce_min3A_34 : vector<16xi32>, vector<16xi1> -> vector<16xi32>
    %reduce_min3A_39 = arith.xori %reduce_min3A_38, %reduce_min3A_36 : vector<16xi32>
    %reduce_min3A_40 = vector.extract %reduce_min3A_39[15] : i32 from vector<16xi32>
    %eq3A_41 = vector.broadcast %reduce_min3A_18 : i32 to vector<16xi32>
    %eq3A_42 = arith.cmpi eq, %iota3A, %eq3A_41 : vector<16xi32>
    %eq3A_43 = vector.broadcast %reduce_min3A_40 : i32 to vector<16xi32>
    %eq3A_44 = arith.cmpi eq, %iota3A, %eq3A_43 : vector<16xi32>
    %or3A = arith.ori %eq3A_42, %eq3A_44 : vector<16xi1>
    %jit3A_45 = arith.constant 0.000000e+00 : f32
    %broadcast_in_dim3A_46 = vector.broadcast %jit3A_45 : f32 to vector<16xf32>
    %select_n3A_47 = arith.select %or3A, %get3A_6, %broadcast_in_dim3A_46 : vector<16xi1>, vector<16xf32>
    %swap3A = arith.constant 0 : index
    %swap3A_48 = tpu.vector_load %arg7[%swap3A] {strides = array<i32>} : memref<128xf32, #tpu.memory_space<vmem>>, vector<16xf32>,
    tpu.vector_store %arg7[%swap3A], %select_n3A_47 {strides = array<i32>} : memref<128xf32, #tpu.memory_space<vmem>>, vector<16xf32>,
    %eq3A_49 = arith.constant 0 : i32
    %eq3A_50 = vector.broadcast %eq3A_49 : i32 to vector<16xi32>
    %eq3A_51 = arith.cmpi eq, %iota3A, %eq3A_50 : vector<16xi32>
    %eq3A_52 = arith.constant 1 : i32
    %eq3A_53 = vector.broadcast %eq3A_52 : i32 to vector<16xi32>
    %eq3A_54 = arith.cmpi eq, %iota3A, %eq3A_53 : vector<16xi32>
    %broadcast_in_dim3A_55 = vector.broadcast %reduce_min3A_40 : i32 to vector<16xi32>
    %select_n3A_56 = arith.select %eq3A_54, %broadcast_in_dim3A_55, %broadcast_in_dim3A_3 : vector<16xi1>, vector<16xi32>
    %broadcast_in_dim3A_57 = vector.broadcast %reduce_min3A_18 : i32 to vector<16xi32>
    %select_n3A_58 = arith.select %eq3A_51, %broadcast_in_dim3A_57, %select_n3A_56 : vector<16xi1>, vector<16xi32>
    %eq3A_59 = arith.constant 0 : i32
    %eq3A_60 = vector.broadcast %eq3A_59 : i32 to vector<16xi32>
    %eq3A_61 = arith.cmpi eq, %iota3A, %eq3A_60 : vector<16xi32>
    %eq3A_62 = arith.constant 1 : i32
    %eq3A_63 = vector.broadcast %eq3A_62 : i32 to vector<16xi32>
    %eq3A_64 = arith.cmpi eq, %iota3A, %eq3A_63 : vector<16xi32>
    %broadcast_in_dim3A_65 = vector.broadcast %reduce_max3A_27 : f32 to vector<16xf32>
    %select_n3A_66 = arith.select %eq3A_64, %broadcast_in_dim3A_65, %broadcast_in_dim3A_5 : vector<16xi1>, vector<16xf32>
    %broadcast_in_dim3A_67 = vector.broadcast %reduce_max3A_9 : f32 to vector<16xf32>
    %select_n3A_68 = arith.select %eq3A_61, %broadcast_in_dim3A_67, %select_n3A_66 : vector<16xi1>, vector<16xf32>
    %get3A_69 = arith.constant 16 : index
    %get3A_70 = tpu.vector_load %arg6[%get3A_69] {strides = array<i32>} : memref<128xf32, #tpu.memory_space<vmem>>, vector<16xf32>,
    %reduce_max3A_71 = arith.constant true
    %reduce_max3A_72 = vector.broadcast %reduce_max3A_71 : i1 to vector<16xi1>
    %reduce_max3A_73 = tpu.scan <max>, %get3A_70 masked %reduce_max3A_72 : vector<16xf32>, vector<16xi1> -> vector<16xf32>
    %reduce_max3A_74 = vector.extract %reduce_max3A_73[15] : f32 from vector<16xf32>
    %eq3A_75 = vector.broadcast %reduce_max3A_74 : f32 to vector<16xf32>
    %eq3A_76 = arith.cmpf oeq, %get3A_70, %eq3A_75 : vector<16xf32>
    %jit3A_77 = arith.constant 16 : i32
    %broadcast_in_dim3A_78 = vector.broadcast %jit3A_77 : i32 to vector<16xi32>
    %select_n3A_79 = arith.select %eq3A_76, %iota3A, %broadcast_in_dim3A_78 : vector<16xi1>, vector<16xi32>
    %reduce_min3A_80 = arith.constant true
    %reduce_min3A_81 = vector.broadcast %reduce_min3A_80 : i1 to vector<16xi1>
    %reduce_min3A_82 = arith.constant -2147483648 : i32
    %reduce_min3A_83 = vector.broadcast %reduce_min3A_82 : i32 to vector<16xi32>
    %reduce_min3A_84 = arith.xori %select_n3A_79, %reduce_min3A_83 : vector<16xi32>
    %reduce_min3A_85 = tpu.scan <min>, %reduce_min3A_84 masked %reduce_min3A_81 : vector<16xi32>, vector<16xi1> -> vector<16xi32>
    %reduce_min3A_86 = arith.xori %reduce_min3A_85, %reduce_min3A_83 : vector<16xi32>
    %reduce_min3A_87 = vector.extract %reduce_min3A_86[15] : i32 from vector<16xi32>
    %eq3A_88 = vector.broadcast %reduce_min3A_87 : i32 to vector<16xi32>
    %eq3A_89 = arith.cmpi eq, %iota3A, %eq3A_88 : vector<16xi32>
    %jit3A_90 = arith.constant -1.000000e+00 : f32
    %broadcast_in_dim3A_91 = vector.broadcast %jit3A_90 : f32 to vector<16xf32>
    %select_n3A_92 = arith.select %eq3A_89, %broadcast_in_dim3A_91, %get3A_70 : vector<16xi1>, vector<16xf32>
    %reduce_max3A_93 = arith.constant true
    %reduce_max3A_94 = vector.broadcast %reduce_max3A_93 : i1 to vector<16xi1>
    %reduce_max3A_95 = tpu.scan <max>, %select_n3A_92 masked %reduce_max3A_94 : vector<16xf32>, vector<16xi1> -> vector<16xf32>
    %reduce_max3A_96 = vector.extract %reduce_max3A_95[15] : f32 from vector<16xf32>
    %eq3A_97 = vector.broadcast %reduce_max3A_96 : f32 to vector<16xf32>
    %eq3A_98 = arith.cmpf oeq, %select_n3A_92, %eq3A_97 : vector<16xf32>
    %jit3A_99 = arith.constant 16 : i32
    %broadcast_in_dim3A_100 = vector.broadcast %jit3A_99 : i32 to vector<16xi32>
    %select_n3A_101 = arith.select %eq3A_98, %iota3A, %broadcast_in_dim3A_100 : vector<16xi1>, vector<16xi32>
    %reduce_min3A_102 = arith.constant true
    %reduce_min3A_103 = vector.broadcast %reduce_min3A_102 : i1 to vector<16xi1>
    %reduce_min3A_104 = arith.constant -2147483648 : i32
    %reduce_min3A_105 = vector.broadcast %reduce_min3A_104 : i32 to vector<16xi32>
    %reduce_min3A_106 = arith.xori %select_n3A_101, %reduce_min3A_105 : vector<16xi32>
    %reduce_min3A_107 = tpu.scan <min>, %reduce_min3A_106 masked %reduce_min3A_103 : vector<16xi32>, vector<16xi1> -> vector<16xi32>
    %reduce_min3A_108 = arith.xori %reduce_min3A_107, %reduce_min3A_105 : vector<16xi32>
    %reduce_min3A_109 = vector.extract %reduce_min3A_108[15] : i32 from vector<16xi32>
    %eq3A_110 = vector.broadcast %reduce_min3A_87 : i32 to vector<16xi32>
    %eq3A_111 = arith.cmpi eq, %iota3A, %eq3A_110 : vector<16xi32>
    %eq3A_112 = vector.broadcast %reduce_min3A_109 : i32 to vector<16xi32>
    %eq3A_113 = arith.cmpi eq, %iota3A, %eq3A_112 : vector<16xi32>
    %or3A_114 = arith.ori %eq3A_111, %eq3A_113 : vector<16xi1>
    %jit3A_115 = arith.constant 0.000000e+00 : f32
    %broadcast_in_dim3A_116 = vector.broadcast %jit3A_115 : f32 to vector<16xf32>
    %select_n3A_117 = arith.select %or3A_114, %get3A_70, %broadcast_in_dim3A_116 : vector<16xi1>, vector<16xf32>
    %swap3A_118 = arith.constant 16 : index
    %swap3A_119 = tpu.vector_load %arg7[%swap3A_118] {strides = array<i32>} : memref<128xf32, #tpu.memory_space<vmem>>, vector<16xf32>,
    tpu.vector_store %arg7[%swap3A_118], %select_n3A_117 {strides = array<i32>} : memref<128xf32, #tpu.memory_space<vmem>>, vector<16xf32>,
    %eq3A_120 = arith.constant 2 : i32
    %eq3A_121 = vector.broadcast %eq3A_120 : i32 to vector<16xi32>
    %eq3A_122 = arith.cmpi eq, %iota3A, %eq3A_121 : vector<16xi32>
    %eq3A_123 = arith.constant 3 : i32
    %eq3A_124 = vector.broadcast %eq3A_123 : i32 to vector<16xi32>
    %eq3A_125 = arith.cmpi eq, %iota3A, %eq3A_124 : vector<16xi32>
    %broadcast_in_dim3A_126 = vector.broadcast %reduce_min3A_109 : i32 to vector<16xi32>
    %select_n3A_127 = arith.select %eq3A_125, %broadcast_in_dim3A_126, %select_n3A_58 : vector<16xi1>, vector<16xi32>
    %broadcast_in_dim3A_128 = vector.broadcast %reduce_min3A_87 : i32 to vector<16xi32>
    %select_n3A_129 = arith.select %eq3A_122, %broadcast_in_dim3A_128, %select_n3A_127 : vector<16xi1>, vector<16xi32>
    %eq3A_130 = arith.constant 2 : i32
    %eq3A_131 = vector.broadcast %eq3A_130 : i32 to vector<16xi32>
    %eq3A_132 = arith.cmpi eq, %iota3A, %eq3A_131 : vector<16xi32>
    %eq3A_133 = arith.constant 3 : i32
    %eq3A_134 = vector.broadcast %eq3A_133 : i32 to vector<16xi32>
    %eq3A_135 = arith.cmpi eq, %iota3A, %eq3A_134 : vector<16xi32>
    %broadcast_in_dim3A_136 = vector.broadcast %reduce_max3A_96 : f32 to vector<16xf32>
    %select_n3A_137 = arith.select %eq3A_135, %broadcast_in_dim3A_136, %select_n3A_68 : vector<16xi1>, vector<16xf32>
    %broadcast_in_dim3A_138 = vector.broadcast %reduce_max3A_74 : f32 to vector<16xf32>
    %select_n3A_139 = arith.select %eq3A_132, %broadcast_in_dim3A_138, %select_n3A_137 : vector<16xi1>, vector<16xf32>
    %get3A_140 = arith.constant 32 : index
    %get3A_141 = tpu.vector_load %arg6[%get3A_140] {strides = array<i32>} : memref<128xf32, #tpu.memory_space<vmem>>, vector<16xf32>,
    %reduce_max3A_142 = arith.constant true
    %reduce_max3A_143 = vector.broadcast %reduce_max3A_142 : i1 to vector<16xi1>
    %reduce_max3A_144 = tpu.scan <max>, %get3A_141 masked %reduce_max3A_143 : vector<16xf32>, vector<16xi1> -> vector<16xf32>
    %reduce_max3A_145 = vector.extract %reduce_max3A_144[15] : f32 from vector<16xf32>
    %eq3A_146 = vector.broadcast %reduce_max3A_145 : f32 to vector<16xf32>
    %eq3A_147 = arith.cmpf oeq, %get3A_141, %eq3A_146 : vector<16xf32>
    %jit3A_148 = arith.constant 16 : i32
    %broadcast_in_dim3A_149 = vector.broadcast %jit3A_148 : i32 to vector<16xi32>
    %select_n3A_150 = arith.select %eq3A_147, %iota3A, %broadcast_in_dim3A_149 : vector<16xi1>, vector<16xi32>
    %reduce_min3A_151 = arith.constant true
    %reduce_min3A_152 = vector.broadcast %reduce_min3A_151 : i1 to vector<16xi1>
    %reduce_min3A_153 = arith.constant -2147483648 : i32
    %reduce_min3A_154 = vector.broadcast %reduce_min3A_153 : i32 to vector<16xi32>
    %reduce_min3A_155 = arith.xori %select_n3A_150, %reduce_min3A_154 : vector<16xi32>
    %reduce_min3A_156 = tpu.scan <min>, %reduce_min3A_155 masked %reduce_min3A_152 : vector<16xi32>, vector<16xi1> -> vector<16xi32>
    %reduce_min3A_157 = arith.xori %reduce_min3A_156, %reduce_min3A_154 : vector<16xi32>
    %reduce_min3A_158 = vector.extract %reduce_min3A_157[15] : i32 from vector<16xi32>
    %eq3A_159 = vector.broadcast %reduce_min3A_158 : i32 to vector<16xi32>
    %eq3A_160 = arith.cmpi eq, %iota3A, %eq3A_159 : vector<16xi32>
    %jit3A_161 = arith.constant -1.000000e+00 : f32
    %broadcast_in_dim3A_162 = vector.broadcast %jit3A_161 : f32 to vector<16xf32>
    %select_n3A_163 = arith.select %eq3A_160, %broadcast_in_dim3A_162, %get3A_141 : vector<16xi1>, vector<16xf32>
    %reduce_max3A_164 = arith.constant true
    %reduce_max3A_165 = vector.broadcast %reduce_max3A_164 : i1 to vector<16xi1>
    %reduce_max3A_166 = tpu.scan <max>, %select_n3A_163 masked %reduce_max3A_165 : vector<16xf32>, vector<16xi1> -> vector<16xf32>
    %reduce_max3A_167 = vector.extract %reduce_max3A_166[15] : f32 from vector<16xf32>
    %eq3A_168 = vector.broadcast %reduce_max3A_167 : f32 to vector<16xf32>
    %eq3A_169 = arith.cmpf oeq, %select_n3A_163, %eq3A_168 : vector<16xf32>
    %jit3A_170 = arith.constant 16 : i32
    %broadcast_in_dim3A_171 = vector.broadcast %jit3A_170 : i32 to vector<16xi32>
    %select_n3A_172 = arith.select %eq3A_169, %iota3A, %broadcast_in_dim3A_171 : vector<16xi1>, vector<16xi32>
    %reduce_min3A_173 = arith.constant true
    %reduce_min3A_174 = vector.broadcast %reduce_min3A_173 : i1 to vector<16xi1>
    %reduce_min3A_175 = arith.constant -2147483648 : i32
    %reduce_min3A_176 = vector.broadcast %reduce_min3A_175 : i32 to vector<16xi32>
    %reduce_min3A_177 = arith.xori %select_n3A_172, %reduce_min3A_176 : vector<16xi32>
    %reduce_min3A_178 = tpu.scan <min>, %reduce_min3A_177 masked %reduce_min3A_174 : vector<16xi32>, vector<16xi1> -> vector<16xi32>
    %reduce_min3A_179 = arith.xori %reduce_min3A_178, %reduce_min3A_176 : vector<16xi32>
    %reduce_min3A_180 = vector.extract %reduce_min3A_179[15] : i32 from vector<16xi32>
    %eq3A_181 = vector.broadcast %reduce_min3A_158 : i32 to vector<16xi32>
    %eq3A_182 = arith.cmpi eq, %iota3A, %eq3A_181 : vector<16xi32>
    %eq3A_183 = vector.broadcast %reduce_min3A_180 : i32 to vector<16xi32>
    %eq3A_184 = arith.cmpi eq, %iota3A, %eq3A_183 : vector<16xi32>
    %or3A_185 = arith.ori %eq3A_182, %eq3A_184 : vector<16xi1>
    %jit3A_186 = arith.constant 0.000000e+00 : f32
    %broadcast_in_dim3A_187 = vector.broadcast %jit3A_186 : f32 to vector<16xf32>
    %select_n3A_188 = arith.select %or3A_185, %get3A_141, %broadcast_in_dim3A_187 : vector<16xi1>, vector<16xf32>
    %swap3A_189 = arith.constant 32 : index
    %swap3A_190 = tpu.vector_load %arg7[%swap3A_189] {strides = array<i32>} : memref<128xf32, #tpu.memory_space<vmem>>, vector<16xf32>,
    tpu.vector_store %arg7[%swap3A_189], %select_n3A_188 {strides = array<i32>} : memref<128xf32, #tpu.memory_space<vmem>>, vector<16xf32>,
    %eq3A_191 = arith.constant 4 : i32
    %eq3A_192 = vector.broadcast %eq3A_191 : i32 to vector<16xi32>
    %eq3A_193 = arith.cmpi eq, %iota3A, %eq3A_192 : vector<16xi32>
    %eq3A_194 = arith.constant 5 : i32
    %eq3A_195 = vector.broadcast %eq3A_194 : i32 to vector<16xi32>
    %eq3A_196 = arith.cmpi eq, %iota3A, %eq3A_195 : vector<16xi32>
    %broadcast_in_dim3A_197 = vector.broadcast %reduce_min3A_180 : i32 to vector<16xi32>
    %select_n3A_198 = arith.select %eq3A_196, %broadcast_in_dim3A_197, %select_n3A_129 : vector<16xi1>, vector<16xi32>
    %broadcast_in_dim3A_199 = vector.broadcast %reduce_min3A_158 : i32 to vector<16xi32>
    %select_n3A_200 = arith.select %eq3A_193, %broadcast_in_dim3A_199, %select_n3A_198 : vector<16xi1>, vector<16xi32>
    %eq3A_201 = arith.constant 4 : i32
    %eq3A_202 = vector.broadcast %eq3A_201 : i32 to vector<16xi32>
    %eq3A_203 = arith.cmpi eq, %iota3A, %eq3A_202 : vector<16xi32>
    %eq3A_204 = arith.constant 5 : i32
    %eq3A_205 = vector.broadcast %eq3A_204 : i32 to vector<16xi32>
    %eq3A_206 = arith.cmpi eq, %iota3A, %eq3A_205 : vector<16xi32>
    %broadcast_in_dim3A_207 = vector.broadcast %reduce_max3A_167 : f32 to vector<16xf32>
    %select_n3A_208 = arith.select %eq3A_206, %broadcast_in_dim3A_207, %select_n3A_139 : vector<16xi1>, vector<16xf32>
    %broadcast_in_dim3A_209 = vector.broadcast %reduce_max3A_145 : f32 to vector<16xf32>
    %select_n3A_210 = arith.select %eq3A_203, %broadcast_in_dim3A_209, %select_n3A_208 : vector<16xi1>, vector<16xf32>
    %get3A_211 = arith.constant 48 : index
    %get3A_212 = tpu.vector_load %arg6[%get3A_211] {strides = array<i32>} : memref<128xf32, #tpu.memory_space<vmem>>, vector<16xf32>,
    %reduce_max3A_213 = arith.constant true
    %reduce_max3A_214 = vector.broadcast %reduce_max3A_213 : i1 to vector<16xi1>
    %reduce_max3A_215 = tpu.scan <max>, %get3A_212 masked %reduce_max3A_214 : vector<16xf32>, vector<16xi1> -> vector<16xf32>
    %reduce_max3A_216 = vector.extract %reduce_max3A_215[15] : f32 from vector<16xf32>
    %eq3A_217 = vector.broadcast %reduce_max3A_216 : f32 to vector<16xf32>
    %eq3A_218 = arith.cmpf oeq, %get3A_212, %eq3A_217 : vector<16xf32>
    %jit3A_219 = arith.constant 16 : i32
    %broadcast_in_dim3A_220 = vector.broadcast %jit3A_219 : i32 to vector<16xi32>
    %select_n3A_221 = arith.select %eq3A_218, %iota3A, %broadcast_in_dim3A_220 : vector<16xi1>, vector<16xi32>
    %reduce_min3A_222 = arith.constant true
    %reduce_min3A_223 = vector.broadcast %reduce_min3A_222 : i1 to vector<16xi1>
    %reduce_min3A_224 = arith.constant -2147483648 : i32
    %reduce_min3A_225 = vector.broadcast %reduce_min3A_224 : i32 to vector<16xi32>
    %reduce_min3A_226 = arith.xori %select_n3A_221, %reduce_min3A_225 : vector<16xi32>
    %reduce_min3A_227 = tpu.scan <min>, %reduce_min3A_226 masked %reduce_min3A_223 : vector<16xi32>, vector<16xi1> -> vector<16xi32>
    %reduce_min3A_228 = arith.xori %reduce_min3A_227, %reduce_min3A_225 : vector<16xi32>
    %reduce_min3A_229 = vector.extract %reduce_min3A_228[15] : i32 from vector<16xi32>
    %eq3A_230 = vector.broadcast %reduce_min3A_229 : i32 to vector<16xi32>
    %eq3A_231 = arith.cmpi eq, %iota3A, %eq3A_230 : vector<16xi32>
    %jit3A_232 = arith.constant -1.000000e+00 : f32
    %broadcast_in_dim3A_233 = vector.broadcast %jit3A_232 : f32 to vector<16xf32>
    %select_n3A_234 = arith.select %eq3A_231, %broadcast_in_dim3A_233, %get3A_212 : vector<16xi1>, vector<16xf32>
    %reduce_max3A_235 = arith.constant true
    %reduce_max3A_236 = vector.broadcast %reduce_max3A_235 : i1 to vector<16xi1>
    %reduce_max3A_237 = tpu.scan <max>, %select_n3A_234 masked %reduce_max3A_236 : vector<16xf32>, vector<16xi1> -> vector<16xf32>
    %reduce_max3A_238 = vector.extract %reduce_max3A_237[15] : f32 from vector<16xf32>
    %eq3A_239 = vector.broadcast %reduce_max3A_238 : f32 to vector<16xf32>
    %eq3A_240 = arith.cmpf oeq, %select_n3A_234, %eq3A_239 : vector<16xf32>
    %jit3A_241 = arith.constant 16 : i32
    %broadcast_in_dim3A_242 = vector.broadcast %jit3A_241 : i32 to vector<16xi32>
    %select_n3A_243 = arith.select %eq3A_240, %iota3A, %broadcast_in_dim3A_242 : vector<16xi1>, vector<16xi32>
    %reduce_min3A_244 = arith.constant true
    %reduce_min3A_245 = vector.broadcast %reduce_min3A_244 : i1 to vector<16xi1>
    %reduce_min3A_246 = arith.constant -2147483648 : i32
    %reduce_min3A_247 = vector.broadcast %reduce_min3A_246 : i32 to vector<16xi32>
    %reduce_min3A_248 = arith.xori %select_n3A_243, %reduce_min3A_247 : vector<16xi32>
    %reduce_min3A_249 = tpu.scan <min>, %reduce_min3A_248 masked %reduce_min3A_245 : vector<16xi32>, vector<16xi1> -> vector<16xi32>
    %reduce_min3A_250 = arith.xori %reduce_min3A_249, %reduce_min3A_247 : vector<16xi32>
    %reduce_min3A_251 = vector.extract %reduce_min3A_250[15] : i32 from vector<16xi32>
    %eq3A_252 = vector.broadcast %reduce_min3A_229 : i32 to vector<16xi32>
    %eq3A_253 = arith.cmpi eq, %iota3A, %eq3A_252 : vector<16xi32>
    %eq3A_254 = vector.broadcast %reduce_min3A_251 : i32 to vector<16xi32>
    %eq3A_255 = arith.cmpi eq, %iota3A, %eq3A_254 : vector<16xi32>
    %or3A_256 = arith.ori %eq3A_253, %eq3A_255 : vector<16xi1>
    %jit3A_257 = arith.constant 0.000000e+00 : f32
    %broadcast_in_dim3A_258 = vector.broadcast %jit3A_257 : f32 to vector<16xf32>
    %select_n3A_259 = arith.select %or3A_256, %get3A_212, %broadcast_in_dim3A_258 : vector<16xi1>, vector<16xf32>
    %swap3A_260 = arith.constant 48 : index
    %swap3A_261 = tpu.vector_load %arg7[%swap3A_260] {strides = array<i32>} : memref<128xf32, #tpu.memory_space<vmem>>, vector<16xf32>,
    tpu.vector_store %arg7[%swap3A_260], %select_n3A_259 {strides = array<i32>} : memref<128xf32, #tpu.memory_space<vmem>>, vector<16xf32>,
    %eq3A_262 = arith.constant 6 : i32
    %eq3A_263 = vector.broadcast %eq3A_262 : i32 to vector<16xi32>
    %eq3A_264 = arith.cmpi eq, %iota3A, %eq3A_263 : vector<16xi32>
    %eq3A_265 = arith.constant 7 : i32
    %eq3A_266 = vector.broadcast %eq3A_265 : i32 to vector<16xi32>
    %eq3A_267 = arith.cmpi eq, %iota3A, %eq3A_266 : vector<16xi32>
    %broadcast_in_dim3A_268 = vector.broadcast %reduce_min3A_251 : i32 to vector<16xi32>
    %select_n3A_269 = arith.select %eq3A_267, %broadcast_in_dim3A_268, %select_n3A_200 : vector<16xi1>, vector<16xi32>
    %broadcast_in_dim3A_270 = vector.broadcast %reduce_min3A_229 : i32 to vector<16xi32>
    %select_n3A_271 = arith.select %eq3A_264, %broadcast_in_dim3A_270, %select_n3A_269 : vector<16xi1>, vector<16xi32>
    %eq3A_272 = arith.constant 6 : i32
    %eq3A_273 = vector.broadcast %eq3A_272 : i32 to vector<16xi32>
    %eq3A_274 = arith.cmpi eq, %iota3A, %eq3A_273 : vector<16xi32>
    %eq3A_275 = arith.constant 7 : i32
    %eq3A_276 = vector.broadcast %eq3A_275 : i32 to vector<16xi32>
    %eq3A_277 = arith.cmpi eq, %iota3A, %eq3A_276 : vector<16xi32>
    %broadcast_in_dim3A_278 = vector.broadcast %reduce_max3A_238 : f32 to vector<16xf32>
    %select_n3A_279 = arith.select %eq3A_277, %broadcast_in_dim3A_278, %select_n3A_210 : vector<16xi1>, vector<16xf32>
    %broadcast_in_dim3A_280 = vector.broadcast %reduce_max3A_216 : f32 to vector<16xf32>
    %select_n3A_281 = arith.select %eq3A_274, %broadcast_in_dim3A_280, %select_n3A_279 : vector<16xi1>, vector<16xf32>
    %get3A_282 = arith.constant 64 : index
    %get3A_283 = tpu.vector_load %arg6[%get3A_282] {strides = array<i32>} : memref<128xf32, #tpu.memory_space<vmem>>, vector<16xf32>,
    %reduce_max3A_284 = arith.constant true
    %reduce_max3A_285 = vector.broadcast %reduce_max3A_284 : i1 to vector<16xi1>
    %reduce_max3A_286 = tpu.scan <max>, %get3A_283 masked %reduce_max3A_285 : vector<16xf32>, vector<16xi1> -> vector<16xf32>
    %reduce_max3A_287 = vector.extract %reduce_max3A_286[15] : f32 from vector<16xf32>
    %eq3A_288 = vector.broadcast %reduce_max3A_287 : f32 to vector<16xf32>
    %eq3A_289 = arith.cmpf oeq, %get3A_283, %eq3A_288 : vector<16xf32>
    %jit3A_290 = arith.constant 16 : i32
    %broadcast_in_dim3A_291 = vector.broadcast %jit3A_290 : i32 to vector<16xi32>
    %select_n3A_292 = arith.select %eq3A_289, %iota3A, %broadcast_in_dim3A_291 : vector<16xi1>, vector<16xi32>
    %reduce_min3A_293 = arith.constant true
    %reduce_min3A_294 = vector.broadcast %reduce_min3A_293 : i1 to vector<16xi1>
    %reduce_min3A_295 = arith.constant -2147483648 : i32
    %reduce_min3A_296 = vector.broadcast %reduce_min3A_295 : i32 to vector<16xi32>
    %reduce_min3A_297 = arith.xori %select_n3A_292, %reduce_min3A_296 : vector<16xi32>
    %reduce_min3A_298 = tpu.scan <min>, %reduce_min3A_297 masked %reduce_min3A_294 : vector<16xi32>, vector<16xi1> -> vector<16xi32>
    %reduce_min3A_299 = arith.xori %reduce_min3A_298, %reduce_min3A_296 : vector<16xi32>
    %reduce_min3A_300 = vector.extract %reduce_min3A_299[15] : i32 from vector<16xi32>
    %eq3A_301 = vector.broadcast %reduce_min3A_300 : i32 to vector<16xi32>
    %eq3A_302 = arith.cmpi eq, %iota3A, %eq3A_301 : vector<16xi32>
    %jit3A_303 = arith.constant -1.000000e+00 : f32
    %broadcast_in_dim3A_304 = vector.broadcast %jit3A_303 : f32 to vector<16xf32>
    %select_n3A_305 = arith.select %eq3A_302, %broadcast_in_dim3A_304, %get3A_283 : vector<16xi1>, vector<16xf32>
    %reduce_max3A_306 = arith.constant true
    %reduce_max3A_307 = vector.broadcast %reduce_max3A_306 : i1 to vector<16xi1>
    %reduce_max3A_308 = tpu.scan <max>, %select_n3A_305 masked %reduce_max3A_307 : vector<16xf32>, vector<16xi1> -> vector<16xf32>
    %reduce_max3A_309 = vector.extract %reduce_max3A_308[15] : f32 from vector<16xf32>
    %eq3A_310 = vector.broadcast %reduce_max3A_309 : f32 to vector<16xf32>
    %eq3A_311 = arith.cmpf oeq, %select_n3A_305, %eq3A_310 : vector<16xf32>
    %jit3A_312 = arith.constant 16 : i32
    %broadcast_in_dim3A_313 = vector.broadcast %jit3A_312 : i32 to vector<16xi32>
    %select_n3A_314 = arith.select %eq3A_311, %iota3A, %broadcast_in_dim3A_313 : vector<16xi1>, vector<16xi32>
    %reduce_min3A_315 = arith.constant true
    %reduce_min3A_316 = vector.broadcast %reduce_min3A_315 : i1 to vector<16xi1>
    %reduce_min3A_317 = arith.constant -2147483648 : i32
    %reduce_min3A_318 = vector.broadcast %reduce_min3A_317 : i32 to vector<16xi32>
    %reduce_min3A_319 = arith.xori %select_n3A_314, %reduce_min3A_318 : vector<16xi32>
    %reduce_min3A_320 = tpu.scan <min>, %reduce_min3A_319 masked %reduce_min3A_316 : vector<16xi32>, vector<16xi1> -> vector<16xi32>
    %reduce_min3A_321 = arith.xori %reduce_min3A_320, %reduce_min3A_318 : vector<16xi32>
    %reduce_min3A_322 = vector.extract %reduce_min3A_321[15] : i32 from vector<16xi32>
    %eq3A_323 = vector.broadcast %reduce_min3A_300 : i32 to vector<16xi32>
    %eq3A_324 = arith.cmpi eq, %iota3A, %eq3A_323 : vector<16xi32>
    %eq3A_325 = vector.broadcast %reduce_min3A_322 : i32 to vector<16xi32>
    %eq3A_326 = arith.cmpi eq, %iota3A, %eq3A_325 : vector<16xi32>
    %or3A_327 = arith.ori %eq3A_324, %eq3A_326 : vector<16xi1>
    %jit3A_328 = arith.constant 0.000000e+00 : f32
    %broadcast_in_dim3A_329 = vector.broadcast %jit3A_328 : f32 to vector<16xf32>
    %select_n3A_330 = arith.select %or3A_327, %get3A_283, %broadcast_in_dim3A_329 : vector<16xi1>, vector<16xf32>
    %swap3A_331 = arith.constant 64 : index
    %swap3A_332 = tpu.vector_load %arg7[%swap3A_331] {strides = array<i32>} : memref<128xf32, #tpu.memory_space<vmem>>, vector<16xf32>,
    tpu.vector_store %arg7[%swap3A_331], %select_n3A_330 {strides = array<i32>} : memref<128xf32, #tpu.memory_space<vmem>>, vector<16xf32>,
    %eq3A_333 = arith.constant 8 : i32
    %eq3A_334 = vector.broadcast %eq3A_333 : i32 to vector<16xi32>
    %eq3A_335 = arith.cmpi eq, %iota3A, %eq3A_334 : vector<16xi32>
    %eq3A_336 = arith.constant 9 : i32
    %eq3A_337 = vector.broadcast %eq3A_336 : i32 to vector<16xi32>
    %eq3A_338 = arith.cmpi eq, %iota3A, %eq3A_337 : vector<16xi32>
    %broadcast_in_dim3A_339 = vector.broadcast %reduce_min3A_322 : i32 to vector<16xi32>
    %select_n3A_340 = arith.select %eq3A_338, %broadcast_in_dim3A_339, %select_n3A_271 : vector<16xi1>, vector<16xi32>
    %broadcast_in_dim3A_341 = vector.broadcast %reduce_min3A_300 : i32 to vector<16xi32>
    %select_n3A_342 = arith.select %eq3A_335, %broadcast_in_dim3A_341, %select_n3A_340 : vector<16xi1>, vector<16xi32>
    %eq3A_343 = arith.constant 8 : i32
    %eq3A_344 = vector.broadcast %eq3A_343 : i32 to vector<16xi32>
    %eq3A_345 = arith.cmpi eq, %iota3A, %eq3A_344 : vector<16xi32>
    %eq3A_346 = arith.constant 9 : i32
    %eq3A_347 = vector.broadcast %eq3A_346 : i32 to vector<16xi32>
    %eq3A_348 = arith.cmpi eq, %iota3A, %eq3A_347 : vector<16xi32>
    %broadcast_in_dim3A_349 = vector.broadcast %reduce_max3A_309 : f32 to vector<16xf32>
    %select_n3A_350 = arith.select %eq3A_348, %broadcast_in_dim3A_349, %select_n3A_281 : vector<16xi1>, vector<16xf32>
    %broadcast_in_dim3A_351 = vector.broadcast %reduce_max3A_287 : f32 to vector<16xf32>
    %select_n3A_352 = arith.select %eq3A_345, %broadcast_in_dim3A_351, %select_n3A_350 : vector<16xi1>, vector<16xf32>
    %get3A_353 = arith.constant 80 : index
    %get3A_354 = tpu.vector_load %arg6[%get3A_353] {strides = array<i32>} : memref<128xf32, #tpu.memory_space<vmem>>, vector<16xf32>,
    %reduce_max3A_355 = arith.constant true
    %reduce_max3A_356 = vector.broadcast %reduce_max3A_355 : i1 to vector<16xi1>
    %reduce_max3A_357 = tpu.scan <max>, %get3A_354 masked %reduce_max3A_356 : vector<16xf32>, vector<16xi1> -> vector<16xf32>
    %reduce_max3A_358 = vector.extract %reduce_max3A_357[15] : f32 from vector<16xf32>
    %eq3A_359 = vector.broadcast %reduce_max3A_358 : f32 to vector<16xf32>
    %eq3A_360 = arith.cmpf oeq, %get3A_354, %eq3A_359 : vector<16xf32>
    %jit3A_361 = arith.constant 16 : i32
    %broadcast_in_dim3A_362 = vector.broadcast %jit3A_361 : i32 to vector<16xi32>
    %select_n3A_363 = arith.select %eq3A_360, %iota3A, %broadcast_in_dim3A_362 : vector<16xi1>, vector<16xi32>
    %reduce_min3A_364 = arith.constant true
    %reduce_min3A_365 = vector.broadcast %reduce_min3A_364 : i1 to vector<16xi1>
    %reduce_min3A_366 = arith.constant -2147483648 : i32
    %reduce_min3A_367 = vector.broadcast %reduce_min3A_366 : i32 to vector<16xi32>
    %reduce_min3A_368 = arith.xori %select_n3A_363, %reduce_min3A_367 : vector<16xi32>
    %reduce_min3A_369 = tpu.scan <min>, %reduce_min3A_368 masked %reduce_min3A_365 : vector<16xi32>, vector<16xi1> -> vector<16xi32>
    %reduce_min3A_370 = arith.xori %reduce_min3A_369, %reduce_min3A_367 : vector<16xi32>
    %reduce_min3A_371 = vector.extract %reduce_min3A_370[15] : i32 from vector<16xi32>
    %eq3A_372 = vector.broadcast %reduce_min3A_371 : i32 to vector<16xi32>
    %eq3A_373 = arith.cmpi eq, %iota3A, %eq3A_372 : vector<16xi32>
    %jit3A_374 = arith.constant -1.000000e+00 : f32
    %broadcast_in_dim3A_375 = vector.broadcast %jit3A_374 : f32 to vector<16xf32>
    %select_n3A_376 = arith.select %eq3A_373, %broadcast_in_dim3A_375, %get3A_354 : vector<16xi1>, vector<16xf32>
    %reduce_max3A_377 = arith.constant true
    %reduce_max3A_378 = vector.broadcast %reduce_max3A_377 : i1 to vector<16xi1>
    %reduce_max3A_379 = tpu.scan <max>, %select_n3A_376 masked %reduce_max3A_378 : vector<16xf32>, vector<16xi1> -> vector<16xf32>
    %reduce_max3A_380 = vector.extract %reduce_max3A_379[15] : f32 from vector<16xf32>
    %eq3A_381 = vector.broadcast %reduce_max3A_380 : f32 to vector<16xf32>
    %eq3A_382 = arith.cmpf oeq, %select_n3A_376, %eq3A_381 : vector<16xf32>
    %jit3A_383 = arith.constant 16 : i32
    %broadcast_in_dim3A_384 = vector.broadcast %jit3A_383 : i32 to vector<16xi32>
    %select_n3A_385 = arith.select %eq3A_382, %iota3A, %broadcast_in_dim3A_384 : vector<16xi1>, vector<16xi32>
    %reduce_min3A_386 = arith.constant true
    %reduce_min3A_387 = vector.broadcast %reduce_min3A_386 : i1 to vector<16xi1>
    %reduce_min3A_388 = arith.constant -2147483648 : i32
    %reduce_min3A_389 = vector.broadcast %reduce_min3A_388 : i32 to vector<16xi32>
    %reduce_min3A_390 = arith.xori %select_n3A_385, %reduce_min3A_389 : vector<16xi32>
    %reduce_min3A_391 = tpu.scan <min>, %reduce_min3A_390 masked %reduce_min3A_387 : vector<16xi32>, vector<16xi1> -> vector<16xi32>
    %reduce_min3A_392 = arith.xori %reduce_min3A_391, %reduce_min3A_389 : vector<16xi32>
    %reduce_min3A_393 = vector.extract %reduce_min3A_392[15] : i32 from vector<16xi32>
    %eq3A_394 = vector.broadcast %reduce_min3A_371 : i32 to vector<16xi32>
    %eq3A_395 = arith.cmpi eq, %iota3A, %eq3A_394 : vector<16xi32>
    %eq3A_396 = vector.broadcast %reduce_min3A_393 : i32 to vector<16xi32>
    %eq3A_397 = arith.cmpi eq, %iota3A, %eq3A_396 : vector<16xi32>
    %or3A_398 = arith.ori %eq3A_395, %eq3A_397 : vector<16xi1>
    %jit3A_399 = arith.constant 0.000000e+00 : f32
    %broadcast_in_dim3A_400 = vector.broadcast %jit3A_399 : f32 to vector<16xf32>
    %select_n3A_401 = arith.select %or3A_398, %get3A_354, %broadcast_in_dim3A_400 : vector<16xi1>, vector<16xf32>
    %swap3A_402 = arith.constant 80 : index
    %swap3A_403 = tpu.vector_load %arg7[%swap3A_402] {strides = array<i32>} : memref<128xf32, #tpu.memory_space<vmem>>, vector<16xf32>,
    tpu.vector_store %arg7[%swap3A_402], %select_n3A_401 {strides = array<i32>} : memref<128xf32, #tpu.memory_space<vmem>>, vector<16xf32>,
    %eq3A_404 = arith.constant 10 : i32
    %eq3A_405 = vector.broadcast %eq3A_404 : i32 to vector<16xi32>
    %eq3A_406 = arith.cmpi eq, %iota3A, %eq3A_405 : vector<16xi32>
    %eq3A_407 = arith.constant 11 : i32
    %eq3A_408 = vector.broadcast %eq3A_407 : i32 to vector<16xi32>
    %eq3A_409 = arith.cmpi eq, %iota3A, %eq3A_408 : vector<16xi32>
    %broadcast_in_dim3A_410 = vector.broadcast %reduce_min3A_393 : i32 to vector<16xi32>
    %select_n3A_411 = arith.select %eq3A_409, %broadcast_in_dim3A_410, %select_n3A_342 : vector<16xi1>, vector<16xi32>
    %broadcast_in_dim3A_412 = vector.broadcast %reduce_min3A_371 : i32 to vector<16xi32>
    %select_n3A_413 = arith.select %eq3A_406, %broadcast_in_dim3A_412, %select_n3A_411 : vector<16xi1>, vector<16xi32>
    %eq3A_414 = arith.constant 10 : i32
    %eq3A_415 = vector.broadcast %eq3A_414 : i32 to vector<16xi32>
    %eq3A_416 = arith.cmpi eq, %iota3A, %eq3A_415 : vector<16xi32>
    %eq3A_417 = arith.constant 11 : i32
    %eq3A_418 = vector.broadcast %eq3A_417 : i32 to vector<16xi32>
    %eq3A_419 = arith.cmpi eq, %iota3A, %eq3A_418 : vector<16xi32>
    %broadcast_in_dim3A_420 = vector.broadcast %reduce_max3A_380 : f32 to vector<16xf32>
    %select_n3A_421 = arith.select %eq3A_419, %broadcast_in_dim3A_420, %select_n3A_352 : vector<16xi1>, vector<16xf32>
    %broadcast_in_dim3A_422 = vector.broadcast %reduce_max3A_358 : f32 to vector<16xf32>
    %select_n3A_423 = arith.select %eq3A_416, %broadcast_in_dim3A_422, %select_n3A_421 : vector<16xi1>, vector<16xf32>
    %get3A_424 = arith.constant 96 : index
    %get3A_425 = tpu.vector_load %arg6[%get3A_424] {strides = array<i32>} : memref<128xf32, #tpu.memory_space<vmem>>, vector<16xf32>,
    %reduce_max3A_426 = arith.constant true
    %reduce_max3A_427 = vector.broadcast %reduce_max3A_426 : i1 to vector<16xi1>
    %reduce_max3A_428 = tpu.scan <max>, %get3A_425 masked %reduce_max3A_427 : vector<16xf32>, vector<16xi1> -> vector<16xf32>
    %reduce_max3A_429 = vector.extract %reduce_max3A_428[15] : f32 from vector<16xf32>
    %eq3A_430 = vector.broadcast %reduce_max3A_429 : f32 to vector<16xf32>
    %eq3A_431 = arith.cmpf oeq, %get3A_425, %eq3A_430 : vector<16xf32>
    %jit3A_432 = arith.constant 16 : i32
    %broadcast_in_dim3A_433 = vector.broadcast %jit3A_432 : i32 to vector<16xi32>
    %select_n3A_434 = arith.select %eq3A_431, %iota3A, %broadcast_in_dim3A_433 : vector<16xi1>, vector<16xi32>
    %reduce_min3A_435 = arith.constant true
    %reduce_min3A_436 = vector.broadcast %reduce_min3A_435 : i1 to vector<16xi1>
    %reduce_min3A_437 = arith.constant -2147483648 : i32
    %reduce_min3A_438 = vector.broadcast %reduce_min3A_437 : i32 to vector<16xi32>
    %reduce_min3A_439 = arith.xori %select_n3A_434, %reduce_min3A_438 : vector<16xi32>
    %reduce_min3A_440 = tpu.scan <min>, %reduce_min3A_439 masked %reduce_min3A_436 : vector<16xi32>, vector<16xi1> -> vector<16xi32>
    %reduce_min3A_441 = arith.xori %reduce_min3A_440, %reduce_min3A_438 : vector<16xi32>
    %reduce_min3A_442 = vector.extract %reduce_min3A_441[15] : i32 from vector<16xi32>
    %eq3A_443 = vector.broadcast %reduce_min3A_442 : i32 to vector<16xi32>
    %eq3A_444 = arith.cmpi eq, %iota3A, %eq3A_443 : vector<16xi32>
    %jit3A_445 = arith.constant -1.000000e+00 : f32
    %broadcast_in_dim3A_446 = vector.broadcast %jit3A_445 : f32 to vector<16xf32>
    %select_n3A_447 = arith.select %eq3A_444, %broadcast_in_dim3A_446, %get3A_425 : vector<16xi1>, vector<16xf32>
    %reduce_max3A_448 = arith.constant true
    %reduce_max3A_449 = vector.broadcast %reduce_max3A_448 : i1 to vector<16xi1>
    %reduce_max3A_450 = tpu.scan <max>, %select_n3A_447 masked %reduce_max3A_449 : vector<16xf32>, vector<16xi1> -> vector<16xf32>
    %reduce_max3A_451 = vector.extract %reduce_max3A_450[15] : f32 from vector<16xf32>
    %eq3A_452 = vector.broadcast %reduce_max3A_451 : f32 to vector<16xf32>
    %eq3A_453 = arith.cmpf oeq, %select_n3A_447, %eq3A_452 : vector<16xf32>
    %jit3A_454 = arith.constant 16 : i32
    %broadcast_in_dim3A_455 = vector.broadcast %jit3A_454 : i32 to vector<16xi32>
    %select_n3A_456 = arith.select %eq3A_453, %iota3A, %broadcast_in_dim3A_455 : vector<16xi1>, vector<16xi32>
    %reduce_min3A_457 = arith.constant true
    %reduce_min3A_458 = vector.broadcast %reduce_min3A_457 : i1 to vector<16xi1>
    %reduce_min3A_459 = arith.constant -2147483648 : i32
    %reduce_min3A_460 = vector.broadcast %reduce_min3A_459 : i32 to vector<16xi32>
    %reduce_min3A_461 = arith.xori %select_n3A_456, %reduce_min3A_460 : vector<16xi32>
    %reduce_min3A_462 = tpu.scan <min>, %reduce_min3A_461 masked %reduce_min3A_458 : vector<16xi32>, vector<16xi1> -> vector<16xi32>
    %reduce_min3A_463 = arith.xori %reduce_min3A_462, %reduce_min3A_460 : vector<16xi32>
    %reduce_min3A_464 = vector.extract %reduce_min3A_463[15] : i32 from vector<16xi32>
    %eq3A_465 = vector.broadcast %reduce_min3A_442 : i32 to vector<16xi32>
    %eq3A_466 = arith.cmpi eq, %iota3A, %eq3A_465 : vector<16xi32>
    %eq3A_467 = vector.broadcast %reduce_min3A_464 : i32 to vector<16xi32>
    %eq3A_468 = arith.cmpi eq, %iota3A, %eq3A_467 : vector<16xi32>
    %or3A_469 = arith.ori %eq3A_466, %eq3A_468 : vector<16xi1>
    %jit3A_470 = arith.constant 0.000000e+00 : f32
    %broadcast_in_dim3A_471 = vector.broadcast %jit3A_470 : f32 to vector<16xf32>
    %select_n3A_472 = arith.select %or3A_469, %get3A_425, %broadcast_in_dim3A_471 : vector<16xi1>, vector<16xf32>
    %swap3A_473 = arith.constant 96 : index
    %swap3A_474 = tpu.vector_load %arg7[%swap3A_473] {strides = array<i32>} : memref<128xf32, #tpu.memory_space<vmem>>, vector<16xf32>,
    tpu.vector_store %arg7[%swap3A_473], %select_n3A_472 {strides = array<i32>} : memref<128xf32, #tpu.memory_space<vmem>>, vector<16xf32>,
    %eq3A_475 = arith.constant 12 : i32
    %eq3A_476 = vector.broadcast %eq3A_475 : i32 to vector<16xi32>
    %eq3A_477 = arith.cmpi eq, %iota3A, %eq3A_476 : vector<16xi32>
    %eq3A_478 = arith.constant 13 : i32
    %eq3A_479 = vector.broadcast %eq3A_478 : i32 to vector<16xi32>
    %eq3A_480 = arith.cmpi eq, %iota3A, %eq3A_479 : vector<16xi32>
    %broadcast_in_dim3A_481 = vector.broadcast %reduce_min3A_464 : i32 to vector<16xi32>
    %select_n3A_482 = arith.select %eq3A_480, %broadcast_in_dim3A_481, %select_n3A_413 : vector<16xi1>, vector<16xi32>
    %broadcast_in_dim3A_483 = vector.broadcast %reduce_min3A_442 : i32 to vector<16xi32>
    %select_n3A_484 = arith.select %eq3A_477, %broadcast_in_dim3A_483, %select_n3A_482 : vector<16xi1>, vector<16xi32>
    %eq3A_485 = arith.constant 12 : i32
    %eq3A_486 = vector.broadcast %eq3A_485 : i32 to vector<16xi32>
    %eq3A_487 = arith.cmpi eq, %iota3A, %eq3A_486 : vector<16xi32>
    %eq3A_488 = arith.constant 13 : i32
    %eq3A_489 = vector.broadcast %eq3A_488 : i32 to vector<16xi32>
    %eq3A_490 = arith.cmpi eq, %iota3A, %eq3A_489 : vector<16xi32>
    %broadcast_in_dim3A_491 = vector.broadcast %reduce_max3A_451 : f32 to vector<16xf32>
    %select_n3A_492 = arith.select %eq3A_490, %broadcast_in_dim3A_491, %select_n3A_423 : vector<16xi1>, vector<16xf32>
    %broadcast_in_dim3A_493 = vector.broadcast %reduce_max3A_429 : f32 to vector<16xf32>
    %select_n3A_494 = arith.select %eq3A_487, %broadcast_in_dim3A_493, %select_n3A_492 : vector<16xi1>, vector<16xf32>
    %get3A_495 = arith.constant 112 : index
    %get3A_496 = tpu.vector_load %arg6[%get3A_495] {strides = array<i32>} : memref<128xf32, #tpu.memory_space<vmem>>, vector<16xf32>,
    %reduce_max3A_497 = arith.constant true
    %reduce_max3A_498 = vector.broadcast %reduce_max3A_497 : i1 to vector<16xi1>
    %reduce_max3A_499 = tpu.scan <max>, %get3A_496 masked %reduce_max3A_498 : vector<16xf32>, vector<16xi1> -> vector<16xf32>
    %reduce_max3A_500 = vector.extract %reduce_max3A_499[15] : f32 from vector<16xf32>
    %eq3A_501 = vector.broadcast %reduce_max3A_500 : f32 to vector<16xf32>
    %eq3A_502 = arith.cmpf oeq, %get3A_496, %eq3A_501 : vector<16xf32>
    %jit3A_503 = arith.constant 16 : i32
    %broadcast_in_dim3A_504 = vector.broadcast %jit3A_503 : i32 to vector<16xi32>
    %select_n3A_505 = arith.select %eq3A_502, %iota3A, %broadcast_in_dim3A_504 : vector<16xi1>, vector<16xi32>
    %reduce_min3A_506 = arith.constant true
    %reduce_min3A_507 = vector.broadcast %reduce_min3A_506 : i1 to vector<16xi1>
    %reduce_min3A_508 = arith.constant -2147483648 : i32
    %reduce_min3A_509 = vector.broadcast %reduce_min3A_508 : i32 to vector<16xi32>
    %reduce_min3A_510 = arith.xori %select_n3A_505, %reduce_min3A_509 : vector<16xi32>
    %reduce_min3A_511 = tpu.scan <min>, %reduce_min3A_510 masked %reduce_min3A_507 : vector<16xi32>, vector<16xi1> -> vector<16xi32>
    %reduce_min3A_512 = arith.xori %reduce_min3A_511, %reduce_min3A_509 : vector<16xi32>
    %reduce_min3A_513 = vector.extract %reduce_min3A_512[15] : i32 from vector<16xi32>
    %eq3A_514 = vector.broadcast %reduce_min3A_513 : i32 to vector<16xi32>
    %eq3A_515 = arith.cmpi eq, %iota3A, %eq3A_514 : vector<16xi32>
    %jit3A_516 = arith.constant -1.000000e+00 : f32
    %broadcast_in_dim3A_517 = vector.broadcast %jit3A_516 : f32 to vector<16xf32>
    %select_n3A_518 = arith.select %eq3A_515, %broadcast_in_dim3A_517, %get3A_496 : vector<16xi1>, vector<16xf32>
    %reduce_max3A_519 = arith.constant true
    %reduce_max3A_520 = vector.broadcast %reduce_max3A_519 : i1 to vector<16xi1>
    %reduce_max3A_521 = tpu.scan <max>, %select_n3A_518 masked %reduce_max3A_520 : vector<16xf32>, vector<16xi1> -> vector<16xf32>
    %reduce_max3A_522 = vector.extract %reduce_max3A_521[15] : f32 from vector<16xf32>
    %eq3A_523 = vector.broadcast %reduce_max3A_522 : f32 to vector<16xf32>
    %eq3A_524 = arith.cmpf oeq, %select_n3A_518, %eq3A_523 : vector<16xf32>
    %jit3A_525 = arith.constant 16 : i32
    %broadcast_in_dim3A_526 = vector.broadcast %jit3A_525 : i32 to vector<16xi32>
    %select_n3A_527 = arith.select %eq3A_524, %iota3A, %broadcast_in_dim3A_526 : vector<16xi1>, vector<16xi32>
    %reduce_min3A_528 = arith.constant true
    %reduce_min3A_529 = vector.broadcast %reduce_min3A_528 : i1 to vector<16xi1>
    %reduce_min3A_530 = arith.constant -2147483648 : i32
    %reduce_min3A_531 = vector.broadcast %reduce_min3A_530 : i32 to vector<16xi32>
    %reduce_min3A_532 = arith.xori %select_n3A_527, %reduce_min3A_531 : vector<16xi32>
    %reduce_min3A_533 = tpu.scan <min>, %reduce_min3A_532 masked %reduce_min3A_529 : vector<16xi32>, vector<16xi1> -> vector<16xi32>
    %reduce_min3A_534 = arith.xori %reduce_min3A_533, %reduce_min3A_531 : vector<16xi32>
    %reduce_min3A_535 = vector.extract %reduce_min3A_534[15] : i32 from vector<16xi32>
    %eq3A_536 = vector.broadcast %reduce_min3A_513 : i32 to vector<16xi32>
    %eq3A_537 = arith.cmpi eq, %iota3A, %eq3A_536 : vector<16xi32>
    %eq3A_538 = vector.broadcast %reduce_min3A_535 : i32 to vector<16xi32>
    %eq3A_539 = arith.cmpi eq, %iota3A, %eq3A_538 : vector<16xi32>
    %or3A_540 = arith.ori %eq3A_537, %eq3A_539 : vector<16xi1>
    %jit3A_541 = arith.constant 0.000000e+00 : f32
    %broadcast_in_dim3A_542 = vector.broadcast %jit3A_541 : f32 to vector<16xf32>
    %select_n3A_543 = arith.select %or3A_540, %get3A_496, %broadcast_in_dim3A_542 : vector<16xi1>, vector<16xf32>
    %swap3A_544 = arith.constant 112 : index
    %swap3A_545 = tpu.vector_load %arg7[%swap3A_544] {strides = array<i32>} : memref<128xf32, #tpu.memory_space<vmem>>, vector<16xf32>,
    tpu.vector_store %arg7[%swap3A_544], %select_n3A_543 {strides = array<i32>} : memref<128xf32, #tpu.memory_space<vmem>>, vector<16xf32>,
    %eq3A_546 = arith.constant 14 : i32
    %eq3A_547 = vector.broadcast %eq3A_546 : i32 to vector<16xi32>
    %eq3A_548 = arith.cmpi eq, %iota3A, %eq3A_547 : vector<16xi32>
    %eq3A_549 = arith.constant 15 : i32
    %eq3A_550 = vector.broadcast %eq3A_549 : i32 to vector<16xi32>
    %eq3A_551 = arith.cmpi eq, %iota3A, %eq3A_550 : vector<16xi32>
    %broadcast_in_dim3A_552 = vector.broadcast %reduce_min3A_535 : i32 to vector<16xi32>
    %select_n3A_553 = arith.select %eq3A_551, %broadcast_in_dim3A_552, %select_n3A_484 : vector<16xi1>, vector<16xi32>
    %broadcast_in_dim3A_554 = vector.broadcast %reduce_min3A_513 : i32 to vector<16xi32>
    %select_n3A_555 = arith.select %eq3A_548, %broadcast_in_dim3A_554, %select_n3A_553 : vector<16xi1>, vector<16xi32>
    %eq3A_556 = arith.constant 14 : i32
    %eq3A_557 = vector.broadcast %eq3A_556 : i32 to vector<16xi32>
    %eq3A_558 = arith.cmpi eq, %iota3A, %eq3A_557 : vector<16xi32>
    %eq3A_559 = arith.constant 15 : i32
    %eq3A_560 = vector.broadcast %eq3A_559 : i32 to vector<16xi32>
    %eq3A_561 = arith.cmpi eq, %iota3A, %eq3A_560 : vector<16xi32>
    %broadcast_in_dim3A_562 = vector.broadcast %reduce_max3A_522 : f32 to vector<16xf32>
    %select_n3A_563 = arith.select %eq3A_561, %broadcast_in_dim3A_562, %select_n3A_494 : vector<16xi1>, vector<16xf32>
    %broadcast_in_dim3A_564 = vector.broadcast %reduce_max3A_500 : f32 to vector<16xf32>
    %select_n3A_565 = arith.select %eq3A_558, %broadcast_in_dim3A_564, %select_n3A_563 : vector<16xi1>, vector<16xf32>
    %swap3A_566 = arith.constant 0 : index
    %swap3A_567 = tpu.vector_load %arg8[%swap3A_566] {strides = array<i32>} : memref<16xi32, #tpu.memory_space<vmem>>, vector<16xi32>,
    tpu.vector_store %arg8[%swap3A_566], %select_n3A_555 {strides = array<i32>} : memref<16xi32, #tpu.memory_space<vmem>>, vector<16xi32>,
    %swap3A_568 = arith.constant 0 : index
    %swap3A_569 = tpu.vector_load %arg9[%swap3A_568] {strides = array<i32>} : memref<16xf32, #tpu.memory_space<vmem>>, vector<16xf32>,
    tpu.vector_store %arg9[%swap3A_568], %select_n3A_565 {strides = array<i32>} : memref<16xf32, #tpu.memory_space<vmem>>, vector<16xf32>,
    %mul3A_570 = arith.constant 128 : i32
    %mul3A_571 = arith.muli %add3A, %mul3A_570 : i32
    "tpu.region"() ({
      %run_scoped3A = tpu.sem_alloc : memref<!tpu.dma_semaphore, #tpu.memory_space<semaphore_mem>>
      %dma_start3A = tpu.memref_slice %arg3[%mul3A_571] : memref<4096xf32, #tpu.memory_space<hbm>> -> memref<128xf32, #tpu.memory_space<hbm>>
      %dma_start3A_576 = tpu.memref_slice %arg3[%mul3A_571] : memref<4096xf32, #tpu.memory_space<hbm>> -> memref<128xf32, #tpu.memory_space<hbm>>
      tpu.enqueue_dma source(%arg7 : memref<128xf32, #tpu.memory_space<vmem>>) target(%dma_start3A_576 : memref<128xf32, #tpu.memory_space<hbm>>) target_semaphore(%run_scoped3A : memref<!tpu.dma_semaphore, #tpu.memory_space<semaphore_mem>>)
      %dma_wait3A = tpu.memref_slice %arg3[%mul3A_571] : memref<4096xf32, #tpu.memory_space<hbm>> -> memref<128xf32, #tpu.memory_space<hbm>>
      %dma_wait3A_577 = tpu.memref_slice %arg3[%mul3A_571] : memref<4096xf32, #tpu.memory_space<hbm>> -> memref<128xf32, #tpu.memory_space<hbm>>
      tpu.wait_dma2 semaphore(%run_scoped3A : memref<!tpu.dma_semaphore, #tpu.memory_space<semaphore_mem>>) src(%arg7 : memref<128xf32, #tpu.memory_space<vmem>>) dst(%dma_wait3A_577 : memref<128xf32, #tpu.memory_space<hbm>>)
      tpu.yield
    }) : () -> ()
    %mul3A_572 = arith.constant 16 : i32
    %mul3A_573 = arith.muli %add3A, %mul3A_572 : i32
    "tpu.region"() ({
      %run_scoped3A = tpu.sem_alloc : memref<!tpu.dma_semaphore, #tpu.memory_space<semaphore_mem>>
      %dma_start3A = tpu.memref_slice %arg4[%mul3A_573] : memref<512xi32, #tpu.memory_space<hbm>> -> memref<16xi32, #tpu.memory_space<hbm>>
      %dma_start3A_576 = tpu.memref_slice %arg4[%mul3A_573] : memref<512xi32, #tpu.memory_space<hbm>> -> memref<16xi32, #tpu.memory_space<hbm>>
      tpu.enqueue_dma source(%arg8 : memref<16xi32, #tpu.memory_space<vmem>>) target(%dma_start3A_576 : memref<16xi32, #tpu.memory_space<hbm>>) target_semaphore(%run_scoped3A : memref<!tpu.dma_semaphore, #tpu.memory_space<semaphore_mem>>)
      %dma_wait3A = tpu.memref_slice %arg4[%mul3A_573] : memref<512xi32, #tpu.memory_space<hbm>> -> memref<16xi32, #tpu.memory_space<hbm>>
      %dma_wait3A_577 = tpu.memref_slice %arg4[%mul3A_573] : memref<512xi32, #tpu.memory_space<hbm>> -> memref<16xi32, #tpu.memory_space<hbm>>
      tpu.wait_dma2 semaphore(%run_scoped3A : memref<!tpu.dma_semaphore, #tpu.memory_space<semaphore_mem>>) src(%arg8 : memref<16xi32, #tpu.memory_space<vmem>>) dst(%dma_wait3A_577 : memref<16xi32, #tpu.memory_space<hbm>>)
      tpu.yield
    }) : () -> ()
    %mul3A_574 = arith.constant 16 : i32
    %mul3A_575 = arith.muli %add3A, %mul3A_574 : i32
    "tpu.region"() ({
      %run_scoped3A = tpu.sem_alloc : memref<!tpu.dma_semaphore, #tpu.memory_space<semaphore_mem>>
      %dma_start3A = tpu.memref_slice %arg5[%mul3A_575] : memref<512xf32, #tpu.memory_space<hbm>> -> memref<16xf32, #tpu.memory_space<hbm>>
      %dma_start3A_576 = tpu.memref_slice %arg5[%mul3A_575] : memref<512xf32, #tpu.memory_space<hbm>> -> memref<16xf32, #tpu.memory_space<hbm>>
      tpu.enqueue_dma source(%arg9 : memref<16xf32, #tpu.memory_space<vmem>>) target(%dma_start3A_576 : memref<16xf32, #tpu.memory_space<hbm>>) target_semaphore(%run_scoped3A : memref<!tpu.dma_semaphore, #tpu.memory_space<semaphore_mem>>)
      %dma_wait3A = tpu.memref_slice %arg5[%mul3A_575] : memref<512xf32, #tpu.memory_space<hbm>> -> memref<16xf32, #tpu.memory_space<hbm>>
      %dma_wait3A_577 = tpu.memref_slice %arg5[%mul3A_575] : memref<512xf32, #tpu.memory_space<hbm>> -> memref<16xf32, #tpu.memory_space<hbm>>
      tpu.wait_dma2 semaphore(%run_scoped3A : memref<!tpu.dma_semaphore, #tpu.memory_space<semaphore_mem>>) src(%arg9 : memref<16xf32, #tpu.memory_space<vmem>>) dst(%dma_wait3A_577 : memref<16xf32, #tpu.memory_space<hbm>>)
      tpu.yield
    }) : () -> ()
    return
  }
}

module attributes {stable_mosaic.version = 14 : i64} {
  func.func @_logits_kernel(%arg0: memref<256x16xf32, #tpu.memory_space<vmem>>, %arg1: memref<256x8xf32, #tpu.memory_space<vmem>>, %arg2: memref<8x64xf32, #tpu.memory_space<vmem>>, %arg3: memref<1x64xf32, #tpu.memory_space<vmem>>, %arg4: memref<64x16xf32, #tpu.memory_space<vmem>>, %arg5: memref<256x16xf32, #tpu.memory_space<vmem>>, %arg6: memref<256x16xf32, #tpu.memory_space<vmem>>, %arg7: memref<1x1xf32, #tpu.memory_space<vmem>>) attributes {dimension_semantics = [], scalar_prefetch = 0 : i64, scratch_operands = 0 : i64, tpu.core_type = #tpu.core_type<tc>} {
    %get3A = arith.constant 0 : index
    %get3A_0 = arith.constant 0 : index
    %get3A_1 = vector.load %arg0[%get3A, %get3A_0] : memref<256x16xf32, #tpu.memory_space<vmem>>, vector<256x16xf32>
    %get3A_2 = arith.constant 0 : index
    %get3A_3 = arith.constant 0 : index
    %get3A_4 = vector.load %arg1[%get3A_2, %get3A_3] : memref<256x8xf32, #tpu.memory_space<vmem>>, vector<256x8xf32>
    %get3A_5 = arith.constant 0 : index
    %get3A_6 = arith.constant 0 : index
    %get3A_7 = vector.load %arg2[%get3A_5, %get3A_6] : memref<8x64xf32, #tpu.memory_space<vmem>>, vector<8x64xf32>
    %dot_general3A = arith.constant dense<0.000000e+00> : vector<256x64xf32>
    %dot_general3A_8 = tpu.matmul %get3A_4, %get3A_7, %dot_general3A {dimension_numbers = #tpu.dot_dimension_numbers<[1], [0], [0], [1], [0, 0, 1, 1], [], []>, transpose_lhs_hint = false} : vector<256x8xf32>, vector<8x64xf32>, vector<256x64xf32> -> vector<256x64xf32>
    %get3A_9 = arith.constant 0 : index
    %get3A_10 = arith.constant 0 : index
    %get3A_11 = vector.load %arg3[%get3A_9, %get3A_10] : memref<1x64xf32, #tpu.memory_space<vmem>>, vector<1x64xf32>
    %add3A = vector.broadcast %get3A_11 : vector<1x64xf32> to vector<256x64xf32>
    %add3A_12 = arith.addf %dot_general3A_8, %add3A : vector<256x64xf32>
    %max3A = arith.constant 0.000000e+00 : f32
    %max3A_13 = vector.broadcast %max3A : f32 to vector<256x64xf32>
    %max3A_14 = arith.maximumf %add3A_12, %max3A_13 : vector<256x64xf32>
    %get3A_15 = arith.constant 0 : index
    %get3A_16 = arith.constant 0 : index
    %get3A_17 = vector.load %arg4[%get3A_15, %get3A_16] : memref<64x16xf32, #tpu.memory_space<vmem>>, vector<64x16xf32>
    %dot_general3A_18 = arith.constant dense<0.000000e+00> : vector<256x16xf32>
    %dot_general3A_19 = tpu.matmul %max3A_14, %get3A_17, %dot_general3A_18 {dimension_numbers = #tpu.dot_dimension_numbers<[1], [0], [0], [1], [0, 0, 1, 1], [], []>, transpose_lhs_hint = false} : vector<256x64xf32>, vector<64x16xf32>, vector<256x16xf32> -> vector<256x16xf32>
    %add3A_20 = arith.addf %get3A_1, %dot_general3A_19 : vector<256x16xf32>
    %reduce_max3A = arith.constant dense<0xFF800000> : vector<256xf32>
    %reduce_max3A_21 = vector.multi_reduction <maximumf>, %add3A_20, %reduce_max3A [1] : vector<256x16xf32> to vector<256xf32>
    %broadcast_in_dim3A = vector.shape_cast %reduce_max3A_21 : vector<256xf32> to vector<256x1xf32>
    %sub3A = vector.broadcast %broadcast_in_dim3A : vector<256x1xf32> to vector<256x16xf32>
    %sub3A_22 = arith.subf %add3A_20, %sub3A : vector<256x16xf32>
    %exp3A = math.exp %sub3A_22 : vector<256x16xf32>
    %reduce_sum3A = arith.constant dense<0.000000e+00> : vector<256xf32>
    %reduce_sum3A_23 = vector.multi_reduction <add>, %exp3A, %reduce_sum3A [1] : vector<256x16xf32> to vector<256xf32>
    %broadcast_in_dim3A_24 = vector.shape_cast %reduce_sum3A_23 : vector<256xf32> to vector<256x1xf32>
    %div3A = vector.broadcast %broadcast_in_dim3A_24 : vector<256x1xf32> to vector<256x16xf32>
    %div3A_25 = arith.divf %exp3A, %div3A : vector<256x16xf32>
    %reduce_sum3A_26 = arith.constant dense<0.000000e+00> : vector<16xf32>
    %reduce_sum3A_27 = vector.multi_reduction <add>, %div3A_25, %reduce_sum3A_26 [0] : vector<256x16xf32> to vector<16xf32>
    %broadcast_in_dim3A_28 = vector.shape_cast %reduce_sum3A_27 : vector<16xf32> to vector<1x16xf32>
    %reduce_sum3A_29 = arith.constant dense<0.000000e+00> : vector<1xf32>
    %reduce_sum3A_30 = vector.multi_reduction <add>, %broadcast_in_dim3A_28, %reduce_sum3A_29 [1] : vector<1x16xf32> to vector<1xf32>
    %broadcast_in_dim3A_31 = vector.shape_cast %reduce_sum3A_30 : vector<1xf32> to vector<1x1xf32>
    %mul3A = arith.constant 6.250000e-02 : f32
    %mul3A_32 = vector.broadcast %mul3A : f32 to vector<1x1xf32>
    %mul3A_33 = arith.mulf %broadcast_in_dim3A_31, %mul3A_32 : vector<1x1xf32>
    %sub3A_34 = vector.broadcast %mul3A_33 : vector<1x1xf32> to vector<1x16xf32>
    %sub3A_35 = arith.subf %broadcast_in_dim3A_28, %sub3A_34 : vector<1x16xf32>
    %integer_pow3A = arith.mulf %sub3A_35, %sub3A_35 : vector<1x16xf32>
    %reduce_sum3A_36 = arith.constant dense<0.000000e+00> : vector<1xf32>
    %reduce_sum3A_37 = vector.multi_reduction <add>, %integer_pow3A, %reduce_sum3A_36 [1] : vector<1x16xf32> to vector<1xf32>
    %broadcast_in_dim3A_38 = vector.shape_cast %reduce_sum3A_37 : vector<1xf32> to vector<1x1xf32>
    %mul3A_39 = arith.constant 0.0666666701 : f32
    %mul3A_40 = vector.broadcast %mul3A_39 : f32 to vector<1x1xf32>
    %mul3A_41 = arith.mulf %broadcast_in_dim3A_38, %mul3A_40 : vector<1x1xf32>
    %add3A_42 = arith.constant 9.99999993E-9 : f32
    %add3A_43 = vector.broadcast %add3A_42 : f32 to vector<1x1xf32>
    %add3A_44 = arith.addf %mul3A_33, %add3A_43 : vector<1x1xf32>
    %integer_pow3A_45 = arith.mulf %add3A_44, %add3A_44 : vector<1x1xf32>
    %div3A_46 = arith.divf %mul3A_41, %integer_pow3A_45 : vector<1x1xf32>
    %iota3A = tpu.iota {dimensions = array<i32: 1>} : vector<256x16xi32>
    %eq3A = vector.broadcast %broadcast_in_dim3A : vector<256x1xf32> to vector<256x16xf32>
    %eq3A_47 = arith.cmpf oeq, %add3A_20, %eq3A : vector<256x16xf32>
    %jit3A = arith.constant 16 : i32
    %broadcast_in_dim3A_48 = vector.broadcast %jit3A : i32 to vector<256x16xi32>
    %select_n3A = arith.select %eq3A_47, %iota3A, %broadcast_in_dim3A_48 : vector<256x16xi1>, vector<256x16xi32>
    %reduce_min3A = arith.constant dense<2147483647> : vector<256xi32>
    %reduce_min3A_49 = vector.multi_reduction <minsi>, %select_n3A, %reduce_min3A [1] : vector<256x16xi32> to vector<256xi32>
    %broadcast_in_dim3A_50 = vector.shape_cast %reduce_min3A_49 : vector<256xi32> to vector<256x1xi32>
    %eq3A_51 = vector.broadcast %broadcast_in_dim3A_50 : vector<256x1xi32> to vector<256x16xi32>
    %eq3A_52 = arith.cmpi eq, %iota3A, %eq3A_51 : vector<256x16xi32>
    %jit3A_53 = arith.constant 0xFF800000 : f32
    %broadcast_in_dim3A_54 = vector.broadcast %jit3A_53 : f32 to vector<256x16xf32>
    %select_n3A_55 = arith.select %eq3A_52, %broadcast_in_dim3A_54, %add3A_20 : vector<256x16xi1>, vector<256x16xf32>
    %reduce_max3A_56 = arith.constant dense<0xFF800000> : vector<256xf32>
    %reduce_max3A_57 = vector.multi_reduction <maximumf>, %select_n3A_55, %reduce_max3A_56 [1] : vector<256x16xf32> to vector<256xf32>
    %broadcast_in_dim3A_58 = vector.shape_cast %reduce_max3A_57 : vector<256xf32> to vector<256x1xf32>
    %sub3A_59 = vector.broadcast %broadcast_in_dim3A_58 : vector<256x1xf32> to vector<256x16xf32>
    %sub3A_60 = arith.subf %sub3A_59, %add3A_20 : vector<256x16xf32>
    %mul3A_61 = arith.constant 11.3137083 : f32
    %mul3A_62 = vector.broadcast %mul3A_61 : f32 to vector<256x16xf32>
    %mul3A_63 = arith.mulf %sub3A_60, %mul3A_62 : vector<256x16xf32>
    %erf3A = math.erf %mul3A_63 : vector<256x16xf32>
    %mul3A_64 = arith.constant 5.000000e-01 : f32
    %mul3A_65 = vector.broadcast %mul3A_64 : f32 to vector<256x16xf32>
    %mul3A_66 = arith.mulf %mul3A_65, %erf3A : vector<256x16xf32>
    %sub3A_67 = arith.constant 5.000000e-01 : f32
    %sub3A_68 = vector.broadcast %sub3A_67 : f32 to vector<256x16xf32>
    %sub3A_69 = arith.subf %sub3A_68, %mul3A_66 : vector<256x16xf32>
    %reduce_sum3A_70 = arith.constant dense<0.000000e+00> : vector<16xf32>
    %reduce_sum3A_71 = vector.multi_reduction <add>, %sub3A_69, %reduce_sum3A_70 [0] : vector<256x16xf32> to vector<16xf32>
    %broadcast_in_dim3A_72 = vector.shape_cast %reduce_sum3A_71 : vector<16xf32> to vector<1x16xf32>
    %mul3A_73 = arith.constant 3.906250e-03 : f32
    %mul3A_74 = vector.broadcast %mul3A_73 : f32 to vector<1x16xf32>
    %mul3A_75 = arith.mulf %broadcast_in_dim3A_72, %mul3A_74 : vector<1x16xf32>
    %reduce_sum3A_76 = arith.constant dense<0.000000e+00> : vector<1xf32>
    %reduce_sum3A_77 = vector.multi_reduction <add>, %mul3A_75, %reduce_sum3A_76 [1] : vector<1x16xf32> to vector<1xf32>
    %broadcast_in_dim3A_78 = vector.shape_cast %reduce_sum3A_77 : vector<1xf32> to vector<1x1xf32>
    %mul3A_79 = arith.constant 6.250000e-02 : f32
    %mul3A_80 = vector.broadcast %mul3A_79 : f32 to vector<1x1xf32>
    %mul3A_81 = arith.mulf %broadcast_in_dim3A_78, %mul3A_80 : vector<1x1xf32>
    %sub3A_82 = vector.broadcast %mul3A_81 : vector<1x1xf32> to vector<1x16xf32>
    %sub3A_83 = arith.subf %mul3A_75, %sub3A_82 : vector<1x16xf32>
    %integer_pow3A_84 = arith.mulf %sub3A_83, %sub3A_83 : vector<1x16xf32>
    %reduce_sum3A_85 = arith.constant dense<0.000000e+00> : vector<1xf32>
    %reduce_sum3A_86 = vector.multi_reduction <add>, %integer_pow3A_84, %reduce_sum3A_85 [1] : vector<1x16xf32> to vector<1xf32>
    %broadcast_in_dim3A_87 = vector.shape_cast %reduce_sum3A_86 : vector<1xf32> to vector<1x1xf32>
    %mul3A_88 = arith.constant 0.0666666701 : f32
    %mul3A_89 = vector.broadcast %mul3A_88 : f32 to vector<1x1xf32>
    %mul3A_90 = arith.mulf %broadcast_in_dim3A_87, %mul3A_89 : vector<1x1xf32>
    %add3A_91 = arith.constant 9.99999993E-9 : f32
    %add3A_92 = vector.broadcast %add3A_91 : f32 to vector<1x1xf32>
    %add3A_93 = arith.addf %mul3A_81, %add3A_92 : vector<1x1xf32>
    %integer_pow3A_94 = arith.mulf %add3A_93, %add3A_93 : vector<1x1xf32>
    %div3A_95 = arith.divf %mul3A_90, %integer_pow3A_94 : vector<1x1xf32>
    %mul3A_96 = arith.constant 5.000000e-01 : f32
    %mul3A_97 = vector.broadcast %mul3A_96 : f32 to vector<1x1xf32>
    %mul3A_98 = arith.mulf %mul3A_97, %div3A_46 : vector<1x1xf32>
    %mul3A_99 = arith.constant 5.000000e-01 : f32
    %mul3A_100 = vector.broadcast %mul3A_99 : f32 to vector<1x1xf32>
    %mul3A_101 = arith.mulf %mul3A_100, %div3A_95 : vector<1x1xf32>
    %add3A_102 = arith.addf %mul3A_98, %mul3A_101 : vector<1x1xf32>
    %swap3A = arith.constant 0 : index
    %swap3A_103 = arith.constant 0 : index
    %swap3A_104 = vector.load %arg7[%swap3A, %swap3A_103] : memref<1x1xf32, #tpu.memory_space<vmem>>, vector<1x1xf32>
    tpu.vector_store %arg7[%swap3A, %swap3A_103], %add3A_102 {strides = array<i32>} : memref<1x1xf32, #tpu.memory_space<vmem>>, vector<1x1xf32>,
    %get3A_105 = arith.constant 0 : index
    %get3A_106 = arith.constant 0 : index
    %get3A_107 = vector.load %arg5[%get3A_105, %get3A_106] : memref<256x16xf32, #tpu.memory_space<vmem>>, vector<256x16xf32>
    %add3A_108 = arith.addf %add3A_20, %get3A_107 : vector<256x16xf32>
    %reduce_max3A_109 = arith.constant dense<0xFF800000> : vector<256xf32>
    %reduce_max3A_110 = vector.multi_reduction <maximumf>, %add3A_108, %reduce_max3A_109 [1] : vector<256x16xf32> to vector<256xf32>
    %broadcast_in_dim3A_111 = vector.shape_cast %reduce_max3A_110 : vector<256xf32> to vector<256x1xf32>
    %sub3A_112 = vector.broadcast %broadcast_in_dim3A_111 : vector<256x1xf32> to vector<256x16xf32>
    %sub3A_113 = arith.subf %add3A_108, %sub3A_112 : vector<256x16xf32>
    %exp3A_114 = math.exp %sub3A_113 : vector<256x16xf32>
    %reduce_sum3A_115 = arith.constant dense<0.000000e+00> : vector<256xf32>
    %reduce_sum3A_116 = vector.multi_reduction <add>, %exp3A_114, %reduce_sum3A_115 [1] : vector<256x16xf32> to vector<256xf32>
    %broadcast_in_dim3A_117 = vector.shape_cast %reduce_sum3A_116 : vector<256xf32> to vector<256x1xf32>
    %div3A_118 = vector.broadcast %broadcast_in_dim3A_117 : vector<256x1xf32> to vector<256x16xf32>
    %div3A_119 = arith.divf %exp3A_114, %div3A_118 : vector<256x16xf32>
    %swap3A_120 = arith.constant 0 : index
    %swap3A_121 = arith.constant 0 : index
    %swap3A_122 = vector.load %arg6[%swap3A_120, %swap3A_121] : memref<256x16xf32, #tpu.memory_space<vmem>>, vector<256x16xf32>
    tpu.vector_store %arg6[%swap3A_120, %swap3A_121], %div3A_119 {strides = array<i32>} : memref<256x16xf32, #tpu.memory_space<vmem>>, vector<256x16xf32>,
    return
  }
}

module attributes {stable_mosaic.version = 14 : i64} {
  func.func @_energy_kernel(%arg0: i32, %arg1: memref<196x8x768xf32, #tpu.memory_space<vmem>>, %arg2: memref<256x196xf32, #tpu.memory_space<vmem>>, %arg3: memref<8x128xf32, #tpu.memory_space<vmem>>, %arg4: memref<768x16xf32, #tpu.memory_space<vmem>>, %arg5: memref<8x16xf32, #tpu.memory_space<vmem>>, %arg6: memref<8x8xf32, #tpu.memory_space<vmem>>) attributes {dimension_semantics = [#tpu.dimension_semantics<arbitrary>], iteration_bounds = array<i64: 32>, scalar_prefetch = 0 : i64, scratch_operands = 0 : i64, tpu.core_type = #tpu.core_type<tc>, window_params = [{transform_indices = @transform_0, window_bounds = array<i64: 196, 8, 768>}, {pipeline_mode = #tpu.pipeline_mode<synchronous>, transform_indices = @transform_1, window_bounds = array<i64: 256, 196>}, {pipeline_mode = #tpu.pipeline_mode<synchronous>, transform_indices = @transform_2, window_bounds = array<i64: 8, 128>}, {pipeline_mode = #tpu.pipeline_mode<synchronous>, transform_indices = @transform_3, window_bounds = array<i64: 768, 16>}, {transform_indices = @transform_4, window_bounds = array<i64: 8, 16>}, {transform_indices = @transform_5, window_bounds = array<i64: 8, 8>}]} {
    %get3A = arith.constant 0 : index
    %get3A_0 = arith.constant 0 : index
    %get3A_1 = arith.constant 0 : index
    %get3A_2 = vector.load %arg1[%get3A, %get3A_0, %get3A_1] : memref<196x8x768xf32, #tpu.memory_space<vmem>>, vector<196x8x768xf32>
    %transpose3A = tpu.transpose %get3A_2, [1, 0, 2] : vector<196x8x768xf32> -> vector<8x196x768xf32>
    %slice3A = vector.extract_strided_slice %transpose3A {offsets = [0, 0, 0], sizes = [1, 196, 768], strides = [1, 1, 1]} : vector<8x196x768xf32> to vector<1x196x768xf32>
    %squeeze3A = vector.shape_cast %slice3A : vector<1x196x768xf32> to vector<196x768xf32>
    %get3A_3 = arith.constant 0 : index
    %get3A_4 = arith.constant 0 : index
    %get3A_5 = vector.load %arg2[%get3A_3, %get3A_4] : memref<256x196xf32, #tpu.memory_space<vmem>>, vector<256x196xf32>
    %dot_general3A = arith.constant dense<0.000000e+00> : vector<256x768xf32>
    %dot_general3A_6 = tpu.matmul %get3A_5, %squeeze3A, %dot_general3A {dimension_numbers = #tpu.dot_dimension_numbers<[1], [0], [0], [1], [0, 0, 1, 1], [], []>, transpose_lhs_hint = false} : vector<256x196xf32>, vector<196x768xf32>, vector<256x768xf32> -> vector<256x768xf32>
    %slice3A_7 = vector.extract_strided_slice %dot_general3A_6 {offsets = [0, 0], sizes = [128, 768], strides = [1, 1]} : vector<256x768xf32> to vector<128x768xf32>
    %slice3A_8 = vector.extract_strided_slice %dot_general3A_6 {offsets = [128, 0], sizes = [128, 768], strides = [1, 1]} : vector<256x768xf32> to vector<128x768xf32>
    %mul3A = arith.mulf %slice3A_7, %slice3A_7 : vector<128x768xf32>
    %mul3A_9 = arith.mulf %slice3A_8, %slice3A_8 : vector<128x768xf32>
    %add3A = arith.addf %mul3A, %mul3A_9 : vector<128x768xf32>
    %sqrt3A = math.sqrt %add3A : vector<128x768xf32>
    %get3A_10 = arith.constant 0 : index
    %get3A_11 = arith.constant 0 : index
    %get3A_12 = vector.load %arg3[%get3A_10, %get3A_11] : memref<8x128xf32, #tpu.memory_space<vmem>>, vector<8x128xf32>
    %dot_general3A_13 = arith.constant dense<0.000000e+00> : vector<8x768xf32>
    %dot_general3A_14 = tpu.matmul %get3A_12, %sqrt3A, %dot_general3A_13 {dimension_numbers = #tpu.dot_dimension_numbers<[1], [0], [0], [1], [0, 0, 1, 1], [], []>, transpose_lhs_hint = false} : vector<8x128xf32>, vector<128x768xf32>, vector<8x768xf32> -> vector<8x768xf32>
    %reduce_sum3A = arith.constant dense<0.000000e+00> : vector<8xf32>
    %reduce_sum3A_15 = vector.multi_reduction <add>, %dot_general3A_14, %reduce_sum3A [1] : vector<8x768xf32> to vector<8xf32>
    %broadcast_in_dim3A = vector.shape_cast %reduce_sum3A_15 : vector<8xf32> to vector<8x1xf32>
    %mul3A_16 = arith.constant 0.00130208337 : f32
    %mul3A_17 = vector.broadcast %mul3A_16 : f32 to vector<8x1xf32>
    %mul3A_18 = arith.mulf %broadcast_in_dim3A, %mul3A_17 : vector<8x1xf32>
    %slice3A_19 = vector.extract_strided_slice %dot_general3A_6 {offsets = [0, 0], sizes = [1, 768], strides = [1, 1]} : vector<256x768xf32> to vector<1x768xf32>
    %slice3A_20 = vector.extract_strided_slice %transpose3A {offsets = [1, 0, 0], sizes = [1, 196, 768], strides = [1, 1, 1]} : vector<8x196x768xf32> to vector<1x196x768xf32>
    %squeeze3A_21 = vector.shape_cast %slice3A_20 : vector<1x196x768xf32> to vector<196x768xf32>
    %get3A_22 = arith.constant 0 : index
    %get3A_23 = arith.constant 0 : index
    %get3A_24 = vector.load %arg2[%get3A_22, %get3A_23] : memref<256x196xf32, #tpu.memory_space<vmem>>, vector<256x196xf32>
    %dot_general3A_25 = arith.constant dense<0.000000e+00> : vector<256x768xf32>
    %dot_general3A_26 = tpu.matmul %get3A_24, %squeeze3A_21, %dot_general3A_25 {dimension_numbers = #tpu.dot_dimension_numbers<[1], [0], [0], [1], [0, 0, 1, 1], [], []>, transpose_lhs_hint = false} : vector<256x196xf32>, vector<196x768xf32>, vector<256x768xf32> -> vector<256x768xf32>
    %slice3A_27 = vector.extract_strided_slice %dot_general3A_26 {offsets = [0, 0], sizes = [128, 768], strides = [1, 1]} : vector<256x768xf32> to vector<128x768xf32>
    %slice3A_28 = vector.extract_strided_slice %dot_general3A_26 {offsets = [128, 0], sizes = [128, 768], strides = [1, 1]} : vector<256x768xf32> to vector<128x768xf32>
    %mul3A_29 = arith.mulf %slice3A_27, %slice3A_27 : vector<128x768xf32>
    %mul3A_30 = arith.mulf %slice3A_28, %slice3A_28 : vector<128x768xf32>
    %add3A_31 = arith.addf %mul3A_29, %mul3A_30 : vector<128x768xf32>
    %sqrt3A_32 = math.sqrt %add3A_31 : vector<128x768xf32>
    %get3A_33 = arith.constant 0 : index
    %get3A_34 = arith.constant 0 : index
    %get3A_35 = vector.load %arg3[%get3A_33, %get3A_34] : memref<8x128xf32, #tpu.memory_space<vmem>>, vector<8x128xf32>
    %dot_general3A_36 = arith.constant dense<0.000000e+00> : vector<8x768xf32>
    %dot_general3A_37 = tpu.matmul %get3A_35, %sqrt3A_32, %dot_general3A_36 {dimension_numbers = #tpu.dot_dimension_numbers<[1], [0], [0], [1], [0, 0, 1, 1], [], []>, transpose_lhs_hint = false} : vector<8x128xf32>, vector<128x768xf32>, vector<8x768xf32> -> vector<8x768xf32>
    %reduce_sum3A_38 = arith.constant dense<0.000000e+00> : vector<8xf32>
    %reduce_sum3A_39 = vector.multi_reduction <add>, %dot_general3A_37, %reduce_sum3A_38 [1] : vector<8x768xf32> to vector<8xf32>
    %broadcast_in_dim3A_40 = vector.shape_cast %reduce_sum3A_39 : vector<8xf32> to vector<8x1xf32>
    %mul3A_41 = arith.constant 0.00130208337 : f32
    %mul3A_42 = vector.broadcast %mul3A_41 : f32 to vector<8x1xf32>
    %mul3A_43 = arith.mulf %broadcast_in_dim3A_40, %mul3A_42 : vector<8x1xf32>
    %slice3A_44 = vector.extract_strided_slice %dot_general3A_26 {offsets = [0, 0], sizes = [1, 768], strides = [1, 1]} : vector<256x768xf32> to vector<1x768xf32>
    %slice3A_45 = vector.extract_strided_slice %transpose3A {offsets = [2, 0, 0], sizes = [1, 196, 768], strides = [1, 1, 1]} : vector<8x196x768xf32> to vector<1x196x768xf32>
    %squeeze3A_46 = vector.shape_cast %slice3A_45 : vector<1x196x768xf32> to vector<196x768xf32>
    %get3A_47 = arith.constant 0 : index
    %get3A_48 = arith.constant 0 : index
    %get3A_49 = vector.load %arg2[%get3A_47, %get3A_48] : memref<256x196xf32, #tpu.memory_space<vmem>>, vector<256x196xf32>
    %dot_general3A_50 = arith.constant dense<0.000000e+00> : vector<256x768xf32>
    %dot_general3A_51 = tpu.matmul %get3A_49, %squeeze3A_46, %dot_general3A_50 {dimension_numbers = #tpu.dot_dimension_numbers<[1], [0], [0], [1], [0, 0, 1, 1], [], []>, transpose_lhs_hint = false} : vector<256x196xf32>, vector<196x768xf32>, vector<256x768xf32> -> vector<256x768xf32>
    %slice3A_52 = vector.extract_strided_slice %dot_general3A_51 {offsets = [0, 0], sizes = [128, 768], strides = [1, 1]} : vector<256x768xf32> to vector<128x768xf32>
    %slice3A_53 = vector.extract_strided_slice %dot_general3A_51 {offsets = [128, 0], sizes = [128, 768], strides = [1, 1]} : vector<256x768xf32> to vector<128x768xf32>
    %mul3A_54 = arith.mulf %slice3A_52, %slice3A_52 : vector<128x768xf32>
    %mul3A_55 = arith.mulf %slice3A_53, %slice3A_53 : vector<128x768xf32>
    %add3A_56 = arith.addf %mul3A_54, %mul3A_55 : vector<128x768xf32>
    %sqrt3A_57 = math.sqrt %add3A_56 : vector<128x768xf32>
    %get3A_58 = arith.constant 0 : index
    %get3A_59 = arith.constant 0 : index
    %get3A_60 = vector.load %arg3[%get3A_58, %get3A_59] : memref<8x128xf32, #tpu.memory_space<vmem>>, vector<8x128xf32>
    %dot_general3A_61 = arith.constant dense<0.000000e+00> : vector<8x768xf32>
    %dot_general3A_62 = tpu.matmul %get3A_60, %sqrt3A_57, %dot_general3A_61 {dimension_numbers = #tpu.dot_dimension_numbers<[1], [0], [0], [1], [0, 0, 1, 1], [], []>, transpose_lhs_hint = false} : vector<8x128xf32>, vector<128x768xf32>, vector<8x768xf32> -> vector<8x768xf32>
    %reduce_sum3A_63 = arith.constant dense<0.000000e+00> : vector<8xf32>
    %reduce_sum3A_64 = vector.multi_reduction <add>, %dot_general3A_62, %reduce_sum3A_63 [1] : vector<8x768xf32> to vector<8xf32>
    %broadcast_in_dim3A_65 = vector.shape_cast %reduce_sum3A_64 : vector<8xf32> to vector<8x1xf32>
    %mul3A_66 = arith.constant 0.00130208337 : f32
    %mul3A_67 = vector.broadcast %mul3A_66 : f32 to vector<8x1xf32>
    %mul3A_68 = arith.mulf %broadcast_in_dim3A_65, %mul3A_67 : vector<8x1xf32>
    %slice3A_69 = vector.extract_strided_slice %dot_general3A_51 {offsets = [0, 0], sizes = [1, 768], strides = [1, 1]} : vector<256x768xf32> to vector<1x768xf32>
    %slice3A_70 = vector.extract_strided_slice %transpose3A {offsets = [3, 0, 0], sizes = [1, 196, 768], strides = [1, 1, 1]} : vector<8x196x768xf32> to vector<1x196x768xf32>
    %squeeze3A_71 = vector.shape_cast %slice3A_70 : vector<1x196x768xf32> to vector<196x768xf32>
    %get3A_72 = arith.constant 0 : index
    %get3A_73 = arith.constant 0 : index
    %get3A_74 = vector.load %arg2[%get3A_72, %get3A_73] : memref<256x196xf32, #tpu.memory_space<vmem>>, vector<256x196xf32>
    %dot_general3A_75 = arith.constant dense<0.000000e+00> : vector<256x768xf32>
    %dot_general3A_76 = tpu.matmul %get3A_74, %squeeze3A_71, %dot_general3A_75 {dimension_numbers = #tpu.dot_dimension_numbers<[1], [0], [0], [1], [0, 0, 1, 1], [], []>, transpose_lhs_hint = false} : vector<256x196xf32>, vector<196x768xf32>, vector<256x768xf32> -> vector<256x768xf32>
    %slice3A_77 = vector.extract_strided_slice %dot_general3A_76 {offsets = [0, 0], sizes = [128, 768], strides = [1, 1]} : vector<256x768xf32> to vector<128x768xf32>
    %slice3A_78 = vector.extract_strided_slice %dot_general3A_76 {offsets = [128, 0], sizes = [128, 768], strides = [1, 1]} : vector<256x768xf32> to vector<128x768xf32>
    %mul3A_79 = arith.mulf %slice3A_77, %slice3A_77 : vector<128x768xf32>
    %mul3A_80 = arith.mulf %slice3A_78, %slice3A_78 : vector<128x768xf32>
    %add3A_81 = arith.addf %mul3A_79, %mul3A_80 : vector<128x768xf32>
    %sqrt3A_82 = math.sqrt %add3A_81 : vector<128x768xf32>
    %get3A_83 = arith.constant 0 : index
    %get3A_84 = arith.constant 0 : index
    %get3A_85 = vector.load %arg3[%get3A_83, %get3A_84] : memref<8x128xf32, #tpu.memory_space<vmem>>, vector<8x128xf32>
    %dot_general3A_86 = arith.constant dense<0.000000e+00> : vector<8x768xf32>
    %dot_general3A_87 = tpu.matmul %get3A_85, %sqrt3A_82, %dot_general3A_86 {dimension_numbers = #tpu.dot_dimension_numbers<[1], [0], [0], [1], [0, 0, 1, 1], [], []>, transpose_lhs_hint = false} : vector<8x128xf32>, vector<128x768xf32>, vector<8x768xf32> -> vector<8x768xf32>
    %reduce_sum3A_88 = arith.constant dense<0.000000e+00> : vector<8xf32>
    %reduce_sum3A_89 = vector.multi_reduction <add>, %dot_general3A_87, %reduce_sum3A_88 [1] : vector<8x768xf32> to vector<8xf32>
    %broadcast_in_dim3A_90 = vector.shape_cast %reduce_sum3A_89 : vector<8xf32> to vector<8x1xf32>
    %mul3A_91 = arith.constant 0.00130208337 : f32
    %mul3A_92 = vector.broadcast %mul3A_91 : f32 to vector<8x1xf32>
    %mul3A_93 = arith.mulf %broadcast_in_dim3A_90, %mul3A_92 : vector<8x1xf32>
    %slice3A_94 = vector.extract_strided_slice %dot_general3A_76 {offsets = [0, 0], sizes = [1, 768], strides = [1, 1]} : vector<256x768xf32> to vector<1x768xf32>
    %slice3A_95 = vector.extract_strided_slice %transpose3A {offsets = [4, 0, 0], sizes = [1, 196, 768], strides = [1, 1, 1]} : vector<8x196x768xf32> to vector<1x196x768xf32>
    %squeeze3A_96 = vector.shape_cast %slice3A_95 : vector<1x196x768xf32> to vector<196x768xf32>
    %get3A_97 = arith.constant 0 : index
    %get3A_98 = arith.constant 0 : index
    %get3A_99 = vector.load %arg2[%get3A_97, %get3A_98] : memref<256x196xf32, #tpu.memory_space<vmem>>, vector<256x196xf32>
    %dot_general3A_100 = arith.constant dense<0.000000e+00> : vector<256x768xf32>
    %dot_general3A_101 = tpu.matmul %get3A_99, %squeeze3A_96, %dot_general3A_100 {dimension_numbers = #tpu.dot_dimension_numbers<[1], [0], [0], [1], [0, 0, 1, 1], [], []>, transpose_lhs_hint = false} : vector<256x196xf32>, vector<196x768xf32>, vector<256x768xf32> -> vector<256x768xf32>
    %slice3A_102 = vector.extract_strided_slice %dot_general3A_101 {offsets = [0, 0], sizes = [128, 768], strides = [1, 1]} : vector<256x768xf32> to vector<128x768xf32>
    %slice3A_103 = vector.extract_strided_slice %dot_general3A_101 {offsets = [128, 0], sizes = [128, 768], strides = [1, 1]} : vector<256x768xf32> to vector<128x768xf32>
    %mul3A_104 = arith.mulf %slice3A_102, %slice3A_102 : vector<128x768xf32>
    %mul3A_105 = arith.mulf %slice3A_103, %slice3A_103 : vector<128x768xf32>
    %add3A_106 = arith.addf %mul3A_104, %mul3A_105 : vector<128x768xf32>
    %sqrt3A_107 = math.sqrt %add3A_106 : vector<128x768xf32>
    %get3A_108 = arith.constant 0 : index
    %get3A_109 = arith.constant 0 : index
    %get3A_110 = vector.load %arg3[%get3A_108, %get3A_109] : memref<8x128xf32, #tpu.memory_space<vmem>>, vector<8x128xf32>
    %dot_general3A_111 = arith.constant dense<0.000000e+00> : vector<8x768xf32>
    %dot_general3A_112 = tpu.matmul %get3A_110, %sqrt3A_107, %dot_general3A_111 {dimension_numbers = #tpu.dot_dimension_numbers<[1], [0], [0], [1], [0, 0, 1, 1], [], []>, transpose_lhs_hint = false} : vector<8x128xf32>, vector<128x768xf32>, vector<8x768xf32> -> vector<8x768xf32>
    %reduce_sum3A_113 = arith.constant dense<0.000000e+00> : vector<8xf32>
    %reduce_sum3A_114 = vector.multi_reduction <add>, %dot_general3A_112, %reduce_sum3A_113 [1] : vector<8x768xf32> to vector<8xf32>
    %broadcast_in_dim3A_115 = vector.shape_cast %reduce_sum3A_114 : vector<8xf32> to vector<8x1xf32>
    %mul3A_116 = arith.constant 0.00130208337 : f32
    %mul3A_117 = vector.broadcast %mul3A_116 : f32 to vector<8x1xf32>
    %mul3A_118 = arith.mulf %broadcast_in_dim3A_115, %mul3A_117 : vector<8x1xf32>
    %slice3A_119 = vector.extract_strided_slice %dot_general3A_101 {offsets = [0, 0], sizes = [1, 768], strides = [1, 1]} : vector<256x768xf32> to vector<1x768xf32>
    %slice3A_120 = vector.extract_strided_slice %transpose3A {offsets = [5, 0, 0], sizes = [1, 196, 768], strides = [1, 1, 1]} : vector<8x196x768xf32> to vector<1x196x768xf32>
    %squeeze3A_121 = vector.shape_cast %slice3A_120 : vector<1x196x768xf32> to vector<196x768xf32>
    %get3A_122 = arith.constant 0 : index
    %get3A_123 = arith.constant 0 : index
    %get3A_124 = vector.load %arg2[%get3A_122, %get3A_123] : memref<256x196xf32, #tpu.memory_space<vmem>>, vector<256x196xf32>
    %dot_general3A_125 = arith.constant dense<0.000000e+00> : vector<256x768xf32>
    %dot_general3A_126 = tpu.matmul %get3A_124, %squeeze3A_121, %dot_general3A_125 {dimension_numbers = #tpu.dot_dimension_numbers<[1], [0], [0], [1], [0, 0, 1, 1], [], []>, transpose_lhs_hint = false} : vector<256x196xf32>, vector<196x768xf32>, vector<256x768xf32> -> vector<256x768xf32>
    %slice3A_127 = vector.extract_strided_slice %dot_general3A_126 {offsets = [0, 0], sizes = [128, 768], strides = [1, 1]} : vector<256x768xf32> to vector<128x768xf32>
    %slice3A_128 = vector.extract_strided_slice %dot_general3A_126 {offsets = [128, 0], sizes = [128, 768], strides = [1, 1]} : vector<256x768xf32> to vector<128x768xf32>
    %mul3A_129 = arith.mulf %slice3A_127, %slice3A_127 : vector<128x768xf32>
    %mul3A_130 = arith.mulf %slice3A_128, %slice3A_128 : vector<128x768xf32>
    %add3A_131 = arith.addf %mul3A_129, %mul3A_130 : vector<128x768xf32>
    %sqrt3A_132 = math.sqrt %add3A_131 : vector<128x768xf32>
    %get3A_133 = arith.constant 0 : index
    %get3A_134 = arith.constant 0 : index
    %get3A_135 = vector.load %arg3[%get3A_133, %get3A_134] : memref<8x128xf32, #tpu.memory_space<vmem>>, vector<8x128xf32>
    %dot_general3A_136 = arith.constant dense<0.000000e+00> : vector<8x768xf32>
    %dot_general3A_137 = tpu.matmul %get3A_135, %sqrt3A_132, %dot_general3A_136 {dimension_numbers = #tpu.dot_dimension_numbers<[1], [0], [0], [1], [0, 0, 1, 1], [], []>, transpose_lhs_hint = false} : vector<8x128xf32>, vector<128x768xf32>, vector<8x768xf32> -> vector<8x768xf32>
    %reduce_sum3A_138 = arith.constant dense<0.000000e+00> : vector<8xf32>
    %reduce_sum3A_139 = vector.multi_reduction <add>, %dot_general3A_137, %reduce_sum3A_138 [1] : vector<8x768xf32> to vector<8xf32>
    %broadcast_in_dim3A_140 = vector.shape_cast %reduce_sum3A_139 : vector<8xf32> to vector<8x1xf32>
    %mul3A_141 = arith.constant 0.00130208337 : f32
    %mul3A_142 = vector.broadcast %mul3A_141 : f32 to vector<8x1xf32>
    %mul3A_143 = arith.mulf %broadcast_in_dim3A_140, %mul3A_142 : vector<8x1xf32>
    %slice3A_144 = vector.extract_strided_slice %dot_general3A_126 {offsets = [0, 0], sizes = [1, 768], strides = [1, 1]} : vector<256x768xf32> to vector<1x768xf32>
    %slice3A_145 = vector.extract_strided_slice %transpose3A {offsets = [6, 0, 0], sizes = [1, 196, 768], strides = [1, 1, 1]} : vector<8x196x768xf32> to vector<1x196x768xf32>
    %squeeze3A_146 = vector.shape_cast %slice3A_145 : vector<1x196x768xf32> to vector<196x768xf32>
    %get3A_147 = arith.constant 0 : index
    %get3A_148 = arith.constant 0 : index
    %get3A_149 = vector.load %arg2[%get3A_147, %get3A_148] : memref<256x196xf32, #tpu.memory_space<vmem>>, vector<256x196xf32>
    %dot_general3A_150 = arith.constant dense<0.000000e+00> : vector<256x768xf32>
    %dot_general3A_151 = tpu.matmul %get3A_149, %squeeze3A_146, %dot_general3A_150 {dimension_numbers = #tpu.dot_dimension_numbers<[1], [0], [0], [1], [0, 0, 1, 1], [], []>, transpose_lhs_hint = false} : vector<256x196xf32>, vector<196x768xf32>, vector<256x768xf32> -> vector<256x768xf32>
    %slice3A_152 = vector.extract_strided_slice %dot_general3A_151 {offsets = [0, 0], sizes = [128, 768], strides = [1, 1]} : vector<256x768xf32> to vector<128x768xf32>
    %slice3A_153 = vector.extract_strided_slice %dot_general3A_151 {offsets = [128, 0], sizes = [128, 768], strides = [1, 1]} : vector<256x768xf32> to vector<128x768xf32>
    %mul3A_154 = arith.mulf %slice3A_152, %slice3A_152 : vector<128x768xf32>
    %mul3A_155 = arith.mulf %slice3A_153, %slice3A_153 : vector<128x768xf32>
    %add3A_156 = arith.addf %mul3A_154, %mul3A_155 : vector<128x768xf32>
    %sqrt3A_157 = math.sqrt %add3A_156 : vector<128x768xf32>
    %get3A_158 = arith.constant 0 : index
    %get3A_159 = arith.constant 0 : index
    %get3A_160 = vector.load %arg3[%get3A_158, %get3A_159] : memref<8x128xf32, #tpu.memory_space<vmem>>, vector<8x128xf32>
    %dot_general3A_161 = arith.constant dense<0.000000e+00> : vector<8x768xf32>
    %dot_general3A_162 = tpu.matmul %get3A_160, %sqrt3A_157, %dot_general3A_161 {dimension_numbers = #tpu.dot_dimension_numbers<[1], [0], [0], [1], [0, 0, 1, 1], [], []>, transpose_lhs_hint = false} : vector<8x128xf32>, vector<128x768xf32>, vector<8x768xf32> -> vector<8x768xf32>
    %reduce_sum3A_163 = arith.constant dense<0.000000e+00> : vector<8xf32>
    %reduce_sum3A_164 = vector.multi_reduction <add>, %dot_general3A_162, %reduce_sum3A_163 [1] : vector<8x768xf32> to vector<8xf32>
    %broadcast_in_dim3A_165 = vector.shape_cast %reduce_sum3A_164 : vector<8xf32> to vector<8x1xf32>
    %mul3A_166 = arith.constant 0.00130208337 : f32
    %mul3A_167 = vector.broadcast %mul3A_166 : f32 to vector<8x1xf32>
    %mul3A_168 = arith.mulf %broadcast_in_dim3A_165, %mul3A_167 : vector<8x1xf32>
    %slice3A_169 = vector.extract_strided_slice %dot_general3A_151 {offsets = [0, 0], sizes = [1, 768], strides = [1, 1]} : vector<256x768xf32> to vector<1x768xf32>
    %slice3A_170 = vector.extract_strided_slice %transpose3A {offsets = [7, 0, 0], sizes = [1, 196, 768], strides = [1, 1, 1]} : vector<8x196x768xf32> to vector<1x196x768xf32>
    %squeeze3A_171 = vector.shape_cast %slice3A_170 : vector<1x196x768xf32> to vector<196x768xf32>
    %get3A_172 = arith.constant 0 : index
    %get3A_173 = arith.constant 0 : index
    %get3A_174 = vector.load %arg2[%get3A_172, %get3A_173] : memref<256x196xf32, #tpu.memory_space<vmem>>, vector<256x196xf32>
    %dot_general3A_175 = arith.constant dense<0.000000e+00> : vector<256x768xf32>
    %dot_general3A_176 = tpu.matmul %get3A_174, %squeeze3A_171, %dot_general3A_175 {dimension_numbers = #tpu.dot_dimension_numbers<[1], [0], [0], [1], [0, 0, 1, 1], [], []>, transpose_lhs_hint = false} : vector<256x196xf32>, vector<196x768xf32>, vector<256x768xf32> -> vector<256x768xf32>
    %slice3A_177 = vector.extract_strided_slice %dot_general3A_176 {offsets = [0, 0], sizes = [128, 768], strides = [1, 1]} : vector<256x768xf32> to vector<128x768xf32>
    %slice3A_178 = vector.extract_strided_slice %dot_general3A_176 {offsets = [128, 0], sizes = [128, 768], strides = [1, 1]} : vector<256x768xf32> to vector<128x768xf32>
    %mul3A_179 = arith.mulf %slice3A_177, %slice3A_177 : vector<128x768xf32>
    %mul3A_180 = arith.mulf %slice3A_178, %slice3A_178 : vector<128x768xf32>
    %add3A_181 = arith.addf %mul3A_179, %mul3A_180 : vector<128x768xf32>
    %sqrt3A_182 = math.sqrt %add3A_181 : vector<128x768xf32>
    %get3A_183 = arith.constant 0 : index
    %get3A_184 = arith.constant 0 : index
    %get3A_185 = vector.load %arg3[%get3A_183, %get3A_184] : memref<8x128xf32, #tpu.memory_space<vmem>>, vector<8x128xf32>
    %dot_general3A_186 = arith.constant dense<0.000000e+00> : vector<8x768xf32>
    %dot_general3A_187 = tpu.matmul %get3A_185, %sqrt3A_182, %dot_general3A_186 {dimension_numbers = #tpu.dot_dimension_numbers<[1], [0], [0], [1], [0, 0, 1, 1], [], []>, transpose_lhs_hint = false} : vector<8x128xf32>, vector<128x768xf32>, vector<8x768xf32> -> vector<8x768xf32>
    %reduce_sum3A_188 = arith.constant dense<0.000000e+00> : vector<8xf32>
    %reduce_sum3A_189 = vector.multi_reduction <add>, %dot_general3A_187, %reduce_sum3A_188 [1] : vector<8x768xf32> to vector<8xf32>
    %broadcast_in_dim3A_190 = vector.shape_cast %reduce_sum3A_189 : vector<8xf32> to vector<8x1xf32>
    %mul3A_191 = arith.constant 0.00130208337 : f32
    %mul3A_192 = vector.broadcast %mul3A_191 : f32 to vector<8x1xf32>
    %mul3A_193 = arith.mulf %broadcast_in_dim3A_190, %mul3A_192 : vector<8x1xf32>
    %slice3A_194 = vector.extract_strided_slice %dot_general3A_176 {offsets = [0, 0], sizes = [1, 768], strides = [1, 1]} : vector<256x768xf32> to vector<1x768xf32>
    %concatenate3A = tpu.concatenate %mul3A_18, %mul3A_43, %mul3A_68, %mul3A_93, %mul3A_118, %mul3A_143, %mul3A_168, %mul3A_193 in 1 : vector<8x1xf32>, vector<8x1xf32>, vector<8x1xf32>, vector<8x1xf32>, vector<8x1xf32>, vector<8x1xf32>, vector<8x1xf32>, vector<8x1xf32> -> vector<8x8xf32>
    %transpose3A_195 = tpu.transpose %concatenate3A, [1, 0] : vector<8x8xf32> -> vector<8x8xf32>
    %swap3A = arith.constant 0 : index
    %swap3A_196 = arith.constant 0 : index
    %swap3A_197 = vector.load %arg6[%swap3A, %swap3A_196] : memref<8x8xf32, #tpu.memory_space<vmem>>, vector<8x8xf32>
    tpu.vector_store %arg6[%swap3A, %swap3A_196], %transpose3A_195 {strides = array<i32>} : memref<8x8xf32, #tpu.memory_space<vmem>>, vector<8x8xf32>,
    %concatenate3A_198 = tpu.concatenate %slice3A_19, %slice3A_44, %slice3A_69, %slice3A_94, %slice3A_119, %slice3A_144, %slice3A_169, %slice3A_194 in 0 : vector<1x768xf32>, vector<1x768xf32>, vector<1x768xf32>, vector<1x768xf32>, vector<1x768xf32>, vector<1x768xf32>, vector<1x768xf32>, vector<1x768xf32> -> vector<8x768xf32>
    %get3A_199 = arith.constant 0 : index
    %get3A_200 = arith.constant 0 : index
    %get3A_201 = vector.load %arg4[%get3A_199, %get3A_200] : memref<768x16xf32, #tpu.memory_space<vmem>>, vector<768x16xf32>
    %dot_general3A_202 = arith.constant dense<0.000000e+00> : vector<8x16xf32>
    %dot_general3A_203 = tpu.matmul %concatenate3A_198, %get3A_201, %dot_general3A_202 {dimension_numbers = #tpu.dot_dimension_numbers<[1], [0], [0], [1], [0, 0, 1, 1], [], []>, transpose_lhs_hint = false} : vector<8x768xf32>, vector<768x16xf32>, vector<8x16xf32> -> vector<8x16xf32>
    %swap3A_204 = arith.constant 0 : index
    %swap3A_205 = arith.constant 0 : index
    %swap3A_206 = vector.load %arg5[%swap3A_204, %swap3A_205] : memref<8x16xf32, #tpu.memory_space<vmem>>, vector<8x16xf32>
    tpu.vector_store %arg5[%swap3A_204, %swap3A_205], %dot_general3A_203 {strides = array<i32>} : memref<8x16xf32, #tpu.memory_space<vmem>>, vector<8x16xf32>,
    return
  }
  func.func @transform_0(%arg0: i32) -> (i32, i32, i32) {
    %c0_i32 = arith.constant 0 : i32
    %c0_i32_0 = arith.constant 0 : i32
    %c0_i32_1 = arith.constant 0 : i32
    return %c0_i32, %arg0, %c0_i32_0 : i32, i32, i32
  }
  func.func @transform_1(%arg0: i32) -> (i32, i32) {
    %c0_i32 = arith.constant 0 : i32
    %c0_i32_0 = arith.constant 0 : i32
    %c0_i32_1 = arith.constant 0 : i32
    return %c0_i32, %c0_i32_0 : i32, i32
  }
  func.func @transform_2(%arg0: i32) -> (i32, i32) {
    %c0_i32 = arith.constant 0 : i32
    %c0_i32_0 = arith.constant 0 : i32
    %c0_i32_1 = arith.constant 0 : i32
    return %c0_i32, %c0_i32_0 : i32, i32
  }
  func.func @transform_3(%arg0: i32) -> (i32, i32) {
    %c0_i32 = arith.constant 0 : i32
    %c0_i32_0 = arith.constant 0 : i32
    %c0_i32_1 = arith.constant 0 : i32
    return %c0_i32, %c0_i32_0 : i32, i32
  }
  func.func @transform_4(%arg0: i32) -> (i32, i32) {
    %c0_i32 = arith.constant 0 : i32
    %c0_i32_0 = arith.constant 0 : i32
    return %arg0, %c0_i32 : i32, i32
  }
  func.func @transform_5(%arg0: i32) -> (i32, i32) {
    %c0_i32 = arith.constant 0 : i32
    %c0_i32_0 = arith.constant 0 : i32
    return %arg0, %c0_i32 : i32, i32
  }
}

</mosaic_0001>

<sc_bundles>
// kernel: kernel.5.cloned.1.call-start
scs
__scs_entry_jumppad:
0x0: {  	(pc) =	sbr.rel $0x88, $3  }
0x1: {  	(tag) =	ssettag $0x0;
	lr =	simm.s32 $0x1  }
0x2: {  	[smem:$0x3F9C] =	sst lr;
	_ =	strace $0xD0000000  }
0x3: {  	_ = 	snop  }
0x4: {  	_ = 	snop  }
0x5: {  	_ = 	snop  }
0x6: {  	_ = 	snop  }
0x7: {  	_ = 	snop  }
__scs_overlays_trampoline_lowered:
0x8: {  	[smem:$0x3FAB] =	sst s0  }
0x9: {  	[smem:$0x3FAC] =	sst s1  }
0xa: {  	[smem:$0x3FAD] =	sst s2  }
0xb: {  	[smem:$0x3FAE] =	sst s3  }
0xc: {  	[smem:$0x3FAF] =	sst s4  }
0xd: {  	[smem:$0x3FB0] =	sst s5  }
0xe: {  	[smem:$0x3FB1] =	sst s6  }
0xf: {  	[smem:$0x3FB2] =	sst s7  }
0x10: {  	[smem:$0x3FB3] =	sst s8  }
0x11: {  	[smem:$0x3FB4] =	sst s9;
	s0 =	simm.s32 @!p0 $0x0  }
0x12: {  	s1 =	sld [smem:$0x3F9A];
	s0 =	simm.s32 @p0 $0x1  }
0x13: {  	[smem:$0x3FB5] =	sst s0;
	s0 =	simm.s32 @!p1 $0x0  }
0x14: {  	s2 =	sld [smem:$0x3F99];
	s0 =	simm.s32 @p1 $0x1  }
0x15: {  	[smem:$0x3FB6] =	sst s0;
	s0 =	simm.s32 @!p2 $0x0  }
0x16: {  	s3 =	sld [smem:$0x3FDB];
	s0 =	simm.s32 @p2 $0x1  }
0x17: {  	s4 =	simm.s32 $0x1BF5;
	[smem:$0x3FB8] =	sst s0  }
0x18: {  	s0 =	sld [smem:$0x3F9B];
	_ =	swait.ge [sflag:s4], $0x0  }
0x19: {  	s7 =	sld [smem:$0x3F9C]  }
0x1a: {  	s8 =	sadd.s32 $0xFFFFE003, lr  }
0x1b: {  	s9 =	sadd.s32 $0xFFFFFEF7, lr;
	s5 =	simm.s32 $0xFFFFFFFF;
	p2 =	slt.u32 s8, $0xFFFFF086  }
0x1c: {  	p1 =	slt.u32 s9, $0xF7A;
	s5 =	simm.s32 @!p2 $0x0  }
0x1d: {  	s5 =	simm.s32 @p1 $0x1;
	p0 =	seq.s32 s7, s2  }
0x1e: {  	s7 =	smul.u32 @!p0 $0xF7A, s2;
	p2 =	seq.s32 @!p0 s5, $0x0  }
0x1f: {  	s9 =	smul.u32 $0xF7A, s1;
	s8 =	simm.s32 @!p0 $0x1BF5;
	p2 =	por !p2, p0  }
0x20: {  	[sflag:s8] =	ssyncset.s32 @!p0 $0xFFFFF086;
	s6 =	sadd.s32 @!p0 s3, s7;
	s7 =	simm.s32 @!p0 $0x108  }
0x21: {  	s3 =	sadd.s32 s3, s9;
	s6 =	sadd.s32 @!p0 $0x88, s6;
	s7 =	simm.s32 @p2 $0x1082  }
0x22: {  	[simem:s7], [sflag:s8] =	dma.local @!p0 [hbm:s6], $0xF7A  }
0x23: {  	s9 =	sor.u32 $0xD0000000, s2;
	s6 =	simm.s32 $0x108;
	_ =	swait.ge @!p0 [sflag:s8], $0x0  }
0x24: {  	s3 =	sadd.s32 $0x88, s3;
	s6 =	simm.s32 @!p1 $0x1082;
	[sflag:s4] =	ssyncset.s32 $0xFFFFF086  }
0x25: {  	[simem:s6], [sflag:s4] =	dma.local [hbm:s3], $0xF7A  }
0x26: {  	[smem:$0x3F9C] =	sst s1;
	(tag) =	ssettag s2;
	_ =	strace s9  }
0x27: {  	s1 =	sld [smem:$0x3FAC]  }
0x28: {  	s2 =	sld [smem:$0x3FAD]  }
0x29: {  	s4 =	sld [smem:$0x3FAF]  }
0x2a: {  	p0 =	seq.s32 s5, $0x0;
	s5 =	sld [smem:$0x3FB0]  }
0x2b: {  	s6 =	sld [smem:$0x3FB1]  }
0x2c: {  	s7 =	sld [smem:$0x3FB2]  }
0x2d: {  	s3 =	simm.s32 $0x108;
	s8 =	sld [smem:$0x3FB3]  }
0x2e: {  	s3 =	simm.s32 @!p0 $0x1082;
	s9 =	sld [smem:$0x3FB4]  }
0x2f: {  	lr =	sadd.s32 s0, s3;
	s0 =	sld [smem:$0x3FAB]  }
0x30: {  	s3 =	sld [smem:$0x3FAE]  }
0x31: {  	[smem:$0x3FB7] =	sst s10  }
0x32: {  	s10 =	sld [smem:$0x3FB5];
	_ =	sdelay $0x3  }
0x33: {  	p0 =	seq.s32 s10, $0x1;
	s10 =	sld [smem:$0x3FB7];
	_ =	sdelay $0x3  }
0x34: {  	[smem:$0x3FB7] =	sst s10  }
0x35: {  	s10 =	sld [smem:$0x3FB6];
	_ =	sdelay $0x3  }
0x36: {  	p1 =	seq.s32 s10, $0x1;
	s10 =	sld [smem:$0x3FB7];
	_ =	sdelay $0x3  }
0x37: {  	[smem:$0x3FB7] =	sst s10  }
0x38: {  	s10 =	sld [smem:$0x3FB8]  }
0x39: {  	_ = 	snop;
	(pc) =	sbr.ind lr, $3  }
0x3a: {  	_ = 	snop  }
0x3b: {  	_ = 	snop  }
0x3c: {  	p2 =	seq.s32 s10, $0x1;
	s10 =	sld [smem:$0x3FB7]  }
0x3d: {  	_ =	shalt  }
0x3e: {  	_ =	shalt  }
0x3f: {  	_ =	shalt  }
0x40: {  	_ =	shalt  }
0x41: {  	_ =	shalt  }
0x42: {  	_ =	shalt  }
0x43: {  	_ =	shalt  }
0x44: {  	_ =	shalt  }
0x45: {  	_ =	shalt  }
0x46: {  	_ =	shalt  }
0x47: {  	_ =	shalt  }
0x48: {  	_ =	shalt  }
0x49: {  	_ =	shalt  }
0x4a: {  	_ =	shalt  }
0x4b: {  	_ =	shalt  }
0x4c: {  	_ =	shalt  }
0x4d: {  	_ =	shalt  }
0x4e: {  	_ =	shalt  }
0x4f: {  	_ =	shalt  }
0x50: {  	_ =	shalt  }
0x51: {  	_ =	shalt  }
0x52: {  	_ =	shalt  }
0x53: {  	_ =	shalt  }
0x54: {  	_ =	shalt  }
0x55: {  	_ =	shalt  }
0x56: {  	_ =	shalt  }
0x57: {  	_ =	shalt  }
0x58: {  	_ =	shalt  }
0x59: {  	_ =	shalt  }
0x5a: {  	_ =	shalt  }
0x5b: {  	_ =	shalt  }
0x5c: {  	_ =	shalt  }
0x5d: {  	_ =	shalt  }
0x5e: {  	_ =	shalt  }
0x5f: {  	_ =	shalt  }
0x60: {  	_ =	shalt  }
0x61: {  	_ =	shalt  }
0x62: {  	_ =	shalt  }
0x63: {  	_ =	shalt  }
0x64: {  	_ =	shalt  }
0x65: {  	_ =	shalt  }
0x66: {  	_ =	shalt  }
0x67: {  	_ =	shalt  }
0x68: {  	_ =	shalt  }
0x69: {  	_ =	shalt  }
0x6a: {  	_ =	shalt  }
0x6b: {  	_ =	shalt  }
0x6c: {  	_ =	shalt  }
0x6d: {  	_ =	shalt  }
0x6e: {  	_ =	shalt  }
0x6f: {  	_ =	shalt  }
0x70: {  	_ =	shalt  }
0x71: {  	_ =	shalt  }
0x72: {  	_ =	shalt  }
0x73: {  	_ =	shalt  }
0x74: {  	_ =	shalt  }
0x75: {  	_ =	shalt  }
0x76: {  	_ =	shalt  }
0x77: {  	_ =	shalt  }
0x78: {  	_ =	shalt  }
0x79: {  	_ =	shalt  }
0x7a: {  	_ =	shalt  }
0x7b: {  	_ =	shalt  }
0x7c: {  	_ =	shalt  }
0x7d: {  	_ =	shalt  }
0x7e: {  	_ =	shalt  }
0x7f: {  	_ =	shalt  }
0x80: {  	_ =	shalt  }
0x81: {  	_ =	shalt  }
0x82: {  	_ =	shalt  }
0x83: {  	_ =	shalt  }
0x84: {  	_ =	shalt  }
0x85: {  	_ =	shalt  }
0x86: {  	_ =	shalt  }
0x87: {  	_ =	shalt  }
.Lfunc_end0:
.L_simem_size_0:
called_computation_lowered:
.L_overlay_start_0:
0x88: {  	s2 =	sld [smem:$0x3FD9]  }
0x89: {  	s3 =	sld [smem:$0x3FFE];
	_ =	sdelay $0x1  }
0x8a: {  	s1 =	srdreg.scid  }
0x8b: {  	s0 =	sand.u32 $0x1, s1  }
0x8c: {  	s14 =	sshll.u32 s0, $0xA;
	s2 =	sadd.s32 s3, s2  }
0x8d: {  	s2 =	sadd.s32 s2, s14  }
0x8e: {  	[smem:$0x3FC3] =	sst s2  }
0x8f: {  	_ = 	snop  }
0x90: {  	s2 =	sld [smem:$0x3FD0];
	_ =	sdelay $0x2  }
0x91: {  	s15 =	simm.s32 $0xA;
	s4 =	simm.s32 $0x10  }
0x92: {  	[smem:s4], [sflag:s15] =	dma.local [hbm:s2], $0x1  }
0x93: {  	_ =	swait.eq [sflag:s15], $0x1  }
0x94: {  	[sflag:s15] =	ssyncset.done $0x0  }
0x95: {  	s16 =	sld [smem:$0x10];
	[sflag:s15] =	ssyncadd.s32 $0xFFFFFFFF  }
0x96: {  	s17 =	sld [smem:$0x12];
	(tm) =	ssettm $0x1  }
0x97: {  	s18 =	sld [smem:$0x3FFB];
	_ =	sdelay $0x3  }
0x98: {  	_ =	strace s18  }
0x99: {  	s4 =	sld [smem:$0x3FFC];
	_ =	sdelay $0x3  }
0x9a: {  	_ =	strace s4  }
0x9b: {  	s4 =	sld [smem:$0x3FFD];
	_ =	sdelay $0x3  }
0x9c: {  	_ =	strace s4  }
0x9d: {  	_ =	strace $0x8FFFFFFF  }
0x9e: {  	s19 =	sld [smem:$0x3FDB];
	_ =	sdelay $0x1  }
0x9f: {  	s5 =	simm.s32 $_scs_section_size  }
0xa0: {  	s6 =	simm.s32 $_size__tile_overlayer_lowered;
	s7 =	simm.s32 $_tile_overlayer_lowered  }
0xa1: {  	s22 =	simm.s32 $0x1BFF;
	s21 =	sshll.u32 s7, $0x1;
	s4 =	sadd.s32 s5, s19  }
0xa2: {  	s8 =	simm.s32 $0x0;
	s20 =	sshll.u32 s6, $0x1;
	s6 =	sadd.s32 s21, s4  }
0xa3: {  	[timem:s8], [sflag:s22] =	dma.local [hbm:s6], s20  }
0xa4: {  	_ =	swait.ge [sflag:s22], s20  }
0xa5: {  	s5 =	ssub.s32 $0x0, s20;
	[sflag:s22] =	ssyncset.done $0x0  }
0xa6: {  	[sflag:s22] =	ssyncadd.s32 s5;
	_ =	sdelay $0x1  }
0xa7: {  	s23 =	simm.s32 $0x1B8B  }
0xa8: {  	_ =	swait.ge [sflag:s23], $0x1  }
0xa9: {  	[sflag:s23] =	ssyncset.done $0x0  }
0xaa: {  	s25 =	simm.s32 $0x1B8E;
	s24 =	sld [smem:$0x3FFE];
	[sflag:s23] =	ssyncadd.s32 $0xFFFFFFFF  }
0xab: {  	s26 =	simm.s32 $execute0_lowered;
	[smem:$0x3FD2] =	sst s25  }
0xac: {  	s6 =	sshll.u32 s26, $0x1;
	_ =	strace $0x80000046;
	[dreg:$0x1] =	wrdreg $0xFFFFFFFF  }
0xad: {  	s28 =	simm.s32 $_size_execute0_lowered;
	s4 =	sadd.s32 s4, s6;
	[dreg:$0x0] =	wrdreg $0x0  }
0xae: {  	s6 =	sshll.u32 s28, $0x1;
	[dreg:$0x2] =	wrdreg s4  }
0xaf: {  	[dreg:$0x3] =	wrdreg s6  }
0xb0: {  	[dreg:$0x4] =	wrdreg $0xC0  }
0xb1: {  	_ =	task [dreg:s8], $0x5FFFF  }
0xb2: {  	[dreg:$0x1] =	wrdreg $0xFFFFFFFF  }
0xb3: {  	[dreg:$0x0] =	wrdreg $0x60  }
0xb4: {  	[dreg:$0x2] =	wrdreg s16  }
0xb5: {  	[dreg:$0x3] =	wrdreg s24  }
0xb6: {  	[dreg:$0x4] =	wrdreg s17  }
0xb7: {  	[dreg:$0x5] =	wrdreg $0x9  }
0xb8: {  	_ =	task.clear_ibuf [dreg:s8], $0x6FFFF;
	_ =	strace $0x90000046  }
0xb9: {  	s29 =	simm.s32 $0x9;
	_ =	strace $0x80000048  }
0xba: {  	_ =	swait.ge [sflag:s29], $0x1  }
0xbb: {  	[sflag:s29] =	ssyncadd.s32 $0xFFFFFFFF  }
0xbc: {  	_ =	strace $0x90000048  }
0xbd: {  	_ =	sfence  }
0xbe: {  	s30 =	sld [smem:$0x0];
	_ =	sdelay $0x2  }
0xbf: {  	s31 =	sshll.u32 s1, $0xD;
	s1 =	sshrl.u32 s1, $0x2  }
0xc0: {  	s3 =	sand.u32 $0x4000, s31;
	s1 =	sadd.s32 s1, s30  }
0xc1: {  	s0 =	sor.u32 s3, s0;
	s1 =	sshll.u32 s1, $0x11  }
0xc2: {  	s0 =	sor.u32 s1, s0  }
0xc3: {  	s0 =	sadd.s32 $0x8F2B, s0  }
0xc4: {  	[sflag:s0] =	ssyncadd.remote.s32 $0x1  }
0xc5: {  	_ =	sfence.sel $0xFFFF  }
0xc6: {  	[dreg:$0x0] =	wrdreg $0xFFFFFFFF;
	(pc) =	sbr.abs _section_cstart, $3  }
0xc7: {  	[dreg:$0x1] =	wrdreg $0xFFFFFFFF  }
0xc8: {  	_ =	task.clear_ibuf [dreg:s8], $0x2FFFF;
	_ =	strace $0x9FFFFFFF  }
0xc9: {  	(tm) =	ssettm $0x7FFFFFFF  }
tec
execute0_lowered:
.L_overlay_start_1:
0x0: {  	(tag) =	ssettag $0x1  }
0x1: {  	s3 =	rddreg [dreg:$0x0]  }
0x2: {  	s5 =	rddreg [dreg:$0x1]  }
0x3: {  	s1 =	srdreg.scid;
	s0 =	stileid.u32  }
0x4: {  	s6 =	rddreg [dreg:$0x2];
	s2 =	simm.s32 $0x0;
	s28 =	simm.s32 $0x80  }
0x5: {  	s4 =	sand.u32 $0x1, s1;
	s7 =	sshll.u32 s0, $0x1;
	s1 =	rddreg [dreg:$0x3]  }
0x6: {  	s30 =	simm.s32 $0x100;
	[smem:$0x7FF] =	sst s2;
	s7 =	sor.u32 s4, s7  }
0x7: {  	_ =	strace $0x80000047;
	[dreg:$0x6] =	wrdreg s28;
	s8 =	sshll.u32 s7, $0x4  }
0x8: {  	[dreg:$0x8] =	wrdreg s30;
	s7 =	sshll.u32 s7, $0x1;
	s3 =	sadd.s32 s3, s8  }
0x9: {  	s9 =	sadd.s32 s8, s5;
	s25 =	sadd.s32 s6, s7;
	[dreg:$0x4] =	wrdreg s3  }
0xa: {  	s5 =	sadd.s32 s7, s5;
	s24 =	sadd.s32 $0xE00, s9;
	[dreg:$0x7] =	wrdreg s25  }
0xb: {  	s26 =	sadd.s32 $0x1000, s5;
	[dreg:$0x5] =	wrdreg s24  }
0xc: {  	[dreg:$0x9] =	wrdreg s26  }
0xd: {  	s3 =	simm.s32 $0x1;
	s29 =	rddreg [dreg:$0x4]  }
0xe: {  	[tilespmem:s2], [sflag:$0x1] =	stream.linear.gather [hbm4b:s29+s2], $0x80, $0x38;
	[tilespmem:$0x200] =	vst v63  }
0xf: {  	_ =	swait.ge [sflag:s3], $0x80  }
0x10: {  	[sflag:s3] =	ssyncset.done $0x0  }
0x11: {  	[sflag:s3] =	ssyncadd.s32 $0xFFFFFF80  }
0x12: {  	v10 =	vld [tilespmem:$0x0]  }
0x13: {  	v9 =	vld [tilespmem:$0x10]  }
0x14: {  	v2 =	vld [tilespmem:$0x70]  }
0x15: {  	v6 =	vld [tilespmem:$0x30]  }
0x16: {  	v8 =	vld [tilespmem:$0x20]  }
0x17: {  	v5 =	vld [tilespmem:$0x40];
	(xrf0) =	vmax.scan.msk.f32 $0xffff, v10  }
0x18: {  	v4 =	vld [tilespmem:$0x50];
	(xrf0) =	vmax.scan.msk.f32 $0xffff, v9  }
0x19: {  	v3 =	vld [tilespmem:$0x60];
	(xrf0) =	vmax.scan.msk.f32 $0xffff, v2  }
0x1a: {  	(xrf0) =	vmax.scan.msk.f32 $0xffff, v6  }
0x1b: {  	(xrf0) =	vmax.scan.msk.f32 $0xffff, v8  }
0x1c: {  	(xrf0) =	vmax.scan.msk.f32 $0xffff, v5  }
0x1d: {  	v0, _, _ =	vpop (xrf0);
	(xrf0) =	vmax.scan.msk.f32 $0xffff, v4  }
0x1e: {  	v17 =	vbroadcast v0, $0xF;
	v7, _, _ =	vpop (xrf0);
	(xrf0) =	vmax.scan.msk.f32 $0xffff, v3  }
0x1f: {  	v0 =	vlaneseq.u32;
	v16 =	vbroadcast v7, $0xF;
	v7, _, _ =	vpop (xrf0)  }
0x20: {  	v1 =	vor.u32 $0x80000000, v0;
	vm0 =	veq.f32 v10, v17;
	v7 =	vbroadcast v7, $0xF;
	v11, _, _ =	vpop (xrf0)  }
0x21: {  	v12 =	vnsel vm0, $0x80000010, v1;
	vm0 =	veq.f32 v9, v16;
	v13 =	vbroadcast v11, $0xF;
	v28, _, _ =	vpop (xrf0)  }
0x22: {  	(xrf0) =	vmin.scan.msk.u32 $0xffff, v12;
	v29 =	vnsel vm0, $0x80000010, v1;
	v15 =	vbroadcast v28, $0xF;
	vm0 =	veq.f32 v2, v7;
	v30, _, _ =	vpop (xrf0)  }
0x23: {  	vm1 =	veq.f32 v6, v13;
	v14 =	vbroadcast v30, $0xF;
	v31 =	vnsel vm0, $0x80000010, v1;
	(xrf0) =	vmin.scan.msk.u32 $0xffff, v29;
	v32, _, _ =	vpop (xrf0)  }
0x24: {  	vm0 =	veq.f32 v8, v15;
	v18 =	vnsel vm1, $0x80000010, v1;
	v12 =	vbroadcast v32, $0xF;
	v19, _, _ =	vpop (xrf0);
	(xrf0) =	vmin.scan.msk.u32 $0xffff, v31  }
0x25: {  	v20 =	vnsel vm0, $0x80000010, v1;
	vm0 =	veq.f32 v5, v14;
	v11 =	vbroadcast v19, $0xF;
	(xrf0) =	vmin.scan.msk.u32 $0xffff, v18  }
0x26: {  	v33 =	vnsel vm0, $0x80000010, v1;
	vm0 =	veq.f32 v4, v12;
	(xrf0) =	vmin.scan.msk.u32 $0xffff, v20  }
0x27: {  	v34 =	vnsel vm0, $0x80000010, v1;
	vm0 =	veq.f32 v3, v11;
	(xrf0) =	vmin.scan.msk.u32 $0xffff, v33  }
0x28: {  	v35, _, _ =	vpop (xrf0);
	v36 =	vnsel vm0, $0x80000010, v1;
	(xrf0) =	vmin.scan.msk.u32 $0xffff, v34  }
0x29: {  	(v2sf) =	vpush v35, $0xF;
	v37, _, _ =	vpop (xrf0);
	(xrf0) =	vmin.scan.msk.u32 $0xffff, v36  }
0x2a: {  	(v2sf) =	vpush v37, $0xF;
	v38, _, _ =	vpop (xrf0)  }
0x2b: {  	v39, _, _ =	vpop (xrf0);
	(v2sf) =	vpush v38, $0xF  }
0x2c: {  	v40, _, _ =	vpop (xrf0);
	(v2sf) =	vpush v39, $0xF  }
0x2d: {  	(v2sf) =	vpush v40, $0xF;
	v41, _, _ =	vpop (xrf0)  }
0x2e: {  	(v2sf) =	vpush v41, $0xF;
	v42, _, _ =	vpop (xrf0)  }
0x2f: {  	(v2sf) =	vpush v42, $0xF;
	v43, _, _ =	vpop (xrf0)  }
0x30: {  	(v2sf) =	vpush v43, $0xF;
	_ =	sdelay $0x7  }
0x31: {  	s31 =	spop (v2sf)  }
0x32: {  	s12 =	sxor.u32 $0x80000000, s31;
	s6 =	spop (v2sf)  }
0x33: {  	v44 =	vmov s12;
	s7 =	spop (v2sf);
	s10 =	sxor.u32 $0x80000000, s6  }
0x34: {  	vm6 =	veq.s32 v44, v0;
	s9 =	spop (v2sf);
	v45 =	vmov s10  }
0x35: {  	v18 =	vsel vm6, $0xBF800000, v10;
	s13 =	spop (v2sf);
	vm5 =	veq.s32 v45, v0  }
0x36: {  	(xrf0) =	vmax.scan.msk.f32 $0xffff, v18;
	s11 =	sxor.u32 $0x80000000, s13;
	s14 =	spop (v2sf);
	v19 =	vsel vm5, $0xBF800000, v9  }
0x37: {  	v48 =	vimm.s32 $0x0;
	s15 =	sxor.u32 $0x80000000, s9;
	v46 =	vmov s11;
	s13 =	spop (v2sf);
	(xrf0) =	vmax.scan.msk.f32 $0xffff, v19  }
0x38: {  	v51 =	vimm.s32 $0x0;
	v21 =	vmov s15;
	s17 =	sxor.u32 $0x80000000, s14;
	vm4 =	veq.s32 v46, v0;
	s16 =	spop (v2sf)  }
0x39: {  	vm3 =	veq.s32 v21, v0;
	v22 =	vmov s17;
	v20 =	vsel vm4, $0xBF800000, v8;
	s5 =	sxor.u32 $0x80000000, s16  }
0x3a: {  	v23 =	vsel vm3, $0xBF800000, v6;
	s18 =	sxor.u32 $0x80000000, s13;
	vm2 =	veq.s32 v22, v0;
	v47 =	vmov s5;
	(xrf0) =	vmax.scan.msk.f32 $0xffff, v20  }
0x3b: {  	v24 =	vmov s18;
	v25 =	vsel vm2, $0xBF800000, v5;
	vm0 =	veq.s32 v47, v0  }
0x3c: {  	(xrf0) =	vmax.scan.msk.f32 $0xffff, v23;
	v21 =	vsel vm0, $0xFFFFFFFF, v48;
	v49, _, _ =	vpop (xrf0);
	v50 =	vsel vm0, $0xBF800000, v3;
	vm0 =	veq.s32 v24, v0  }
0x3d: {  	[tilespmem:$0x1FFE0] =	vst v21;
	v21 =	vbroadcast v49, $0xF;
	(xrf0) =	vmax.scan.msk.f32 $0xffff, v50;
	v24 =	vsel vm0, $0xFFFFFFFF, v51;
	v52, _, _ =	vpop (xrf0)  }
0x3e: {  	[tilespmem:$0x1FFB0] =	vst v24;
	(xrf0) =	vmax.scan.msk.f32 $0xffff, v25;
	v24 =	vbroadcast v52, $0xF  }
0x3f: {  	v53 =	vsel vm0, $0xBF800000, v4;
	vm7 =	veq.f32 v18, v21  }
0x40: {  	s8 =	sxor.u32 $0x80000000, s7;
	(xrf0) =	vmax.scan.msk.f32 $0xffff, v53;
	v26 =	vnsel vm7, $0x80000010, v1;
	v27, _, _ =	vpop (xrf0);
	vm11 =	veq.f32 v19, v24  }
0x41: {  	v55 =	vmov s8;
	(xrf0) =	vmin.scan.msk.u32 $0xffff, v26;
	v54 =	vbroadcast v27, $0xF;
	v56 =	vnsel vm11, $0x80000010, v1  }
0x42: {  	vm12 =	veq.s32 v55, v0;
	v57, _, _ =	vpop (xrf0);
	(xrf0) =	vmin.scan.msk.u32 $0xffff, v56  }
0x43: {  	v58 =	vsel vm12, $0xBF800000, v2;
	vm9 =	veq.f32 v20, v54;
	v59, _, _ =	vpop (xrf0)  }
0x44: {  	v28 =	vnsel vm9, $0x80000010, v1;
	v29, _, _ =	vpop (xrf0);
	(xrf0) =	vmax.scan.msk.f32 $0xffff, v58  }
0x45: {  	(xrf0) =	vmin.scan.msk.u32 $0xffff, v28  }
0x46: {  	v26 =	vbroadcast v57, $0xF;
	v60, _, _ =	vpop (xrf0)  }
0x47: {  	vm13 =	vmmov $0x1;
	vm14 =	vcmask $0xF0C;
	v30, _, _ =	vpop (xrf0)  }
0x48: {  	v37 =	vimm.s32 $0x0;
	vm10 =	veq.f32 v23, v26;
	(v2sf) =	vpush v30, $0xF;
	v61, _, _ =	vpop (xrf0)  }
0x49: {  	v40 =	vimm.s32 $0x0;
	v23 =	vnsel vm10, $0x80000010, v1;
	(v2sf) =	vpush v61, $0xF  }
0x4a: {  	v48 =	vimm.s32 $0x0;
	v51 =	vimm.s32 $0x0;
	v17 =	vsel vm13, v17, v21;
	(xrf0) =	vmin.scan.msk.u32 $0xffff, v23;
	v62, _, _ =	vpop (xrf0)  }
0x4b: {  	vm11 =	vcmask $0x1700;
	v27 =	vbroadcast v59, $0xF;
	v29 =	vbroadcast v29, $0xF;
	v63, _, _ =	vpop (xrf0)  }
0x4c: {  	vm10 =	vcmask $0x1F1C;
	v32 =	vbroadcast v60, $0xF;
	(v2sf) =	vpush v63, $0xF  }
0x4d: {  	vm7 =	veq.f32 v50, v27;
	vm1 =	vmor vm11, vm10;
	vm11 =	vcmask $0x2724  }
0x4e: {  	vm8 =	veq.f32 v25, v29;
	v33 =	vnsel vm7, $0x80000010, v1;
	vm7 =	veq.f32 v53, v32  }
0x4f: {  	v34 =	vnsel vm8, $0x80000010, v1;
	vm8 =	vcmask $0x700;
	v18 =	vnsel vm7, $0x80000010, v1  }
0x50: {  	vm15 =	vmor vm8, vm14;
	vm7 =	vcmask $0x1714;
	vm8 =	vcmask $0xF00;
	(xrf0) =	vmin.scan.msk.u32 $0xffff, v33;
	v36, _, _ =	vpop (xrf0)  }
0x51: {  	vm10 =	vcmask $0x2700;
	vm0 =	vmor vm8, vm7;
	(xrf0) =	vmin.scan.msk.u32 $0xffff, v34;
	(v2sf) =	vpush v36, $0xF  }
0x52: {  	vm7 =	vmmov $0x3;
	vm8 =	vcmask $0x1F00;
	v35 =	vbroadcast v62, $0xF  }
0x53: {  	v21 =	vsel vm7, $0xFFFFFFFF, v40;
	v17 =	vsel vm7, v17, v24;
	vm7 =	vmor vm8, vm11;
	(xrf0) =	vmin.scan.msk.u32 $0xffff, v18  }
0x54: {  	v16 =	vsel vm15, v17, v16;
	vm9 =	veq.f32 v58, v35;
	v18 =	vsel vm13, $0xFFFFFFFF, v37  }
0x55: {  	v38 =	vnsel vm9, $0x80000010, v1;
	vm9 =	vcmask $0x2F2C;
	vm13 =	vmmov $0xf  }
0x56: {  	vm8 =	vmor vm10, vm9;
	vm9 =	vcmask $0x3734;
	vm10 =	vcmask $0x2F00;
	v39, _, _ =	vpop (xrf0)  }
0x57: {  	v16 =	vsel vm13, v16, v54;
	vm9 =	vmor vm10, vm9;
	v41, _, _ =	vpop (xrf0);
	(v2sf) =	vpush v39, $0xF;
	s19 =	spop (v2sf)  }
0x58: {  	v15 =	vsel vm0, v16, v15;
	vm10 =	vmmov $0x3f;
	(v2sf) =	vpush v41, $0xF;
	s13 =	sxor.u32 $0x80000000, s19;
	s20 =	spop (v2sf)  }
0x59: {  	v53 =	vimm.s32 $0x0;
	(xrf0) =	vmin.scan.msk.u32 $0xffff, v38;
	v15 =	vsel vm10, v15, v26;
	v42, _, _ =	vpop (xrf0);
	v43 =	vmov s13;
	s13 =	sxor.u32 $0x80000000, s20  }
0x5a: {  	(v2sf) =	vpush v42, $0xF;
	vm11 =	veq.s32 v43, v0;
	v45 =	vmov s13  }
0x5b: {  	v13 =	vsel vm1, v15, v13;
	vm6 =	vmor vm6, vm11;
	s14 =	spop (v2sf);
	vm11 =	veq.s32 v45, v0  }
0x5c: {  	v15 =	vsel vm13, $0xFFFFFFFF, v51;
	v10 =	vnsel vm6, $0x0, v10;
	s14 =	sxor.u32 $0x80000000, s14;
	vm5 =	vmor vm5, vm11  }
0x5d: {  	vm11 =	vmmov $0xff;
	v46 =	vmov s14;
	v9 =	vnsel vm5, $0x0, v9  }
0x5e: {  	v13 =	vsel vm11, v13, v29;
	vm5 =	veq.s32 v0, $0x0;
	vm6 =	veq.s32 v46, v0  }
0x5f: {  	v44, _, _ =	vpop (xrf0);
	v13 =	vsel vm7, v13, v14;
	v47 =	vsel vm5, s12, v43;
	vm5 =	vmmov $0x3ff  }
0x60: {  	(v2sf) =	vpush v44, $0xF;
	s21 =	spop (v2sf);
	vm4 =	vmor vm4, vm6;
	v13 =	vsel vm5, v13, v32  }
0x61: {  	[tilespmem:$0x1FF10] =	vst v21;
	v14 =	vsel vm14, s13, v47;
	s12 =	sxor.u32 $0x80000000, s21;
	vm6 =	vmmov $0xfff;
	v12 =	vsel vm8, v13, v12  }
0x62: {  	[tilespmem:$0x1FF00] =	vst v18;
	v13 =	vsel vm15, $0xFFFFFFFF, v48;
	v49 =	vnsel vm15, s10, v14;
	v50 =	vmov s12  }
0x63: {  	v8 =	vnsel vm4, $0x0, v8;
	[tilespmem:$0x1FF20] =	vst v13;
	v13 =	vnsel vm13, s14, v49;
	vm4 =	veq.s32 v50, v0  }
0x64: {  	[tilespmem:$0x1FF30] =	vst v15;
	v12 =	vsel vm6, v12, v27;
	vm3 =	vmor vm3, vm4;
	v13 =	vnsel vm0, s11, v13  }
0x65: {  	[tilespmem:$0x80] =	vst v10;
	v11 =	vsel vm9, v12, v11;
	v12 =	vsel vm10, $0xFFFFFFFF, v53;
	vm4 =	vmmov $0x3fff  }
0x66: {  	[tilespmem:$0x90] =	vst v9;
	s22 =	spop (v2sf);
	v54 =	vnsel vm10, s12, v13;
	v11 =	vsel vm4, v11, v62;
	vm10 =	vcmask $0x373C  }
0x67: {  	v55 =	vimm.s32 $0x0;
	v60 =	vimm.s32 $0x0;
	s23 =	spop (v2sf);
	[tilespmem:$0x1FF50] =	vst v12;
	v7 =	vsel vm10, v11, v7  }
0x68: {  	v9 =	vsel vm8, $0xFFFFFFFF, v60;
	s24 =	sxor.u32 $0x80000000, s23;
	v12 =	vnsel vm1, s15, v54;
	[tilespmem:$0x180] =	vst v7;
	v7 =	vimm.s32 $0x0  }
0x69: {  	v52 =	vimm.s32 $0x0;
	v61 =	vld [tilespmem:$0x1FFB0];
	[tilespmem:$0x1FFA0] =	vst v9;
	v12 =	vnsel vm11, s24, v12;
	s25 =	spop (v2sf);
	v7 =	vsel vm7, $0xFFFFFFFF, v7  }
0x6a: {  	v57 =	vimm.s32 $0x0;
	v14 =	vsel vm0, $0xFFFFFFFF, v52;
	[tilespmem:$0x1FF80] =	vst v7;
	v7 =	vnsel vm7, s17, v12;
	s26 =	sxor.u32 $0x80000000, s25  }
0x6b: {  	v63 =	vimm.s32 $0x0;
	[tilespmem:$0x1FF40] =	vst v14;
	v6 =	vnsel vm3, $0x0, v6;
	v7 =	vnsel vm5, s26, v7  }
0x6c: {  	s4 =	ssub.s32 $0x2, s4;
	v9 =	vsel vm6, $0xFFFFFFFF, v63;
	s29 =	sxor.u32 $0x80000000, s22;
	[tilespmem:$0xB0] =	vst v6;
	v6 =	vimm.s32 $0x0;
	v7 =	vnsel vm8, s18, v7  }
0x6d: {  	s28 =	sshrl.u32 s4, $0x1;
	[tilespmem:$0xA0] =	vst v8;
	v56 =	vmov s24;
	v6 =	vsel vm9, $0xFFFFFFFF, v6;
	v7 =	vnsel vm6, s29, v7  }
0x6e: {  	s4 =	ssub.s32 s4, s28;
	vm0 =	vnez.u8 v61;
	vm3 =	veq.s32 v56, v0;
	[tilespmem:$0x1FFD0] =	vst v6;
	v6 =	vnsel vm9, s5, v7;
	v7 =	vld [tilespmem:$0x1FFE0]  }
0x6f: {  	s7 =	smax.u32 s4, $0x1;
	[tilespmem:$0x1FFC0] =	vst v9;
	v13 =	vsel vm1, $0xFFFFFFFF, v55;
	vm2 =	vmor vm2, vm3;
	v58 =	vmov s26  }
0x70: {  	p0 =	sne.s32 s7, $0x1;
	[tilespmem:$0x1FF60] =	vst v13;
	v13 =	vsel vm11, $0xFFFFFFFF, v57;
	v5 =	vnsel vm2, $0x0, v5;
	s30 =	spop (v2sf);
	vm2 =	veq.s32 v58, v0  }
.Ltmp0:
0x71: {  	v59 =	vimm.s32 $0x0;
	v62 =	vmov s29;
	[tilespmem:$0x1FF70] =	vst v13;
	s31 =	sxor.u32 $0x80000000, s30;
	vm1 =	vmor vm0, vm2;
	(pc) =	sbr.rel @!p0 .LBB2_2-.Ltmp0, $4  }
0x72: {  	v11 =	vsel vm5, $0xFFFFFFFF, v59;
	[tilespmem:$0xC0] =	vst v5;
	v5 =	vmov s31;
	v4 =	vnsel vm1, $0x0, v4  }
0x73: {  	[tilespmem:$0x1FF90] =	vst v11;
	vm1 =	veq.s32 v62, v0;
	vm0 =	vnez.u8 v7;
	v7 =	vimm.s32 $0x0  }
0x74: {  	s6 =	rddreg [dreg:$0x5];
	v6 =	vnsel vm4, s31, v6;
	[tilespmem:$0xD0] =	vst v4;
	vm0 =	vmor vm0, vm1;
	v7 =	vsel vm4, $0xFFFFFFFF, v7  }
0x75: {  	s4 =	simm.s32 $0x180;
	s5 =	sadd.s32 $0xFFFFFFFF, s7;
	s7 =	rddreg [dreg:$0x6];
	v4 =	vnsel vm10, s8, v6;
	[tilespmem:$0x1FFF0] =	vst v7;
	v3 =	vnsel vm0, $0x0, v3;
	vm0 =	veq.s32 v5, v0  }
.LBB2_1:
0x76: {  	vm0 =	vmor vm12, vm0;
	[tilespmem:$0x100] =	vst v4  }
0x77: {  	[tilespmem:$0xE0] =	vst v3;
	v2 =	vnsel vm0, $0x0, v2  }
0x78: {  	[tilespmem:$0xF0] =	vst v2  }
0x79: {  	[hbm4b:s6+s2] =	stream.linear.scatter [tilespmem:s7], [sflag:$0x1], $0x80, $0x38;
	[tilespmem:$0x200] =	vst v63  }
0x7a: {  	_ =	swait.ge [sflag:s3], $0x80  }
0x7b: {  	s21 =	rddreg [dreg:$0x7];
	[sflag:s3] =	ssyncset.done $0x0  }
0x7c: {  	s22 =	rddreg [dreg:$0x8];
	[sflag:s3] =	ssyncadd.s32 $0xFFFFFF80  }
0x7d: {  	[hbm4b:s21+s2] =	stream.linear.scatter [tilespmem:s22], [sflag:$0x1], $0x10, $0x38;
	[tilespmem:$0x200] =	vst v63  }
0x7e: {  	_ =	swait.ge [sflag:s3], $0x10  }
0x7f: {  	[sflag:s3] =	ssyncset.done $0x0  }
0x80: {  	s23 =	rddreg [dreg:$0x9];
	[sflag:s3] =	ssyncadd.s32 $0xFFFFFFF0  }
0x81: {  	[hbm4b:s23+s2] =	stream.linear.scatter [tilespmem:s4], [sflag:$0x1], $0x10, $0x38;
	[tilespmem:$0x200] =	vst v63  }
0x82: {  	_ =	swait.ge [sflag:s3], $0x10  }
0x83: {  	[sflag:s3] =	ssyncset.done $0x0  }
0x84: {  	s24 =	rddreg [dreg:$0x4];
	[sflag:s3] =	ssyncadd.s32 $0xFFFFFFF0  }
0x85: {  	[tilespmem:s2], [sflag:$0x1] =	stream.linear.gather [hbm4b:s24+s2], $0x80, $0x38;
	[tilespmem:$0x200] =	vst v63  }
0x86: {  	_ =	swait.ge [sflag:s3], $0x80  }
0x87: {  	[sflag:s3] =	ssyncset.done $0x0  }
0x88: {  	[sflag:s3] =	ssyncadd.s32 $0xFFFFFF80  }
0x89: {  	v9 =	vld [tilespmem:$0x0]  }
0x8a: {  	v8 =	vld [tilespmem:$0x10]  }
0x8b: {  	v2 =	vld [tilespmem:$0x70]  }
0x8c: {  	v6 =	vld [tilespmem:$0x30]  }
0x8d: {  	v7 =	vld [tilespmem:$0x20]  }
0x8e: {  	v5 =	vld [tilespmem:$0x40];
	(xrf0) =	vmax.scan.msk.f32 $0xffff, v9  }
0x8f: {  	v4 =	vld [tilespmem:$0x50];
	(xrf0) =	vmax.scan.msk.f32 $0xffff, v8  }
0x90: {  	v3 =	vld [tilespmem:$0x60];
	(xrf0) =	vmax.scan.msk.f32 $0xffff, v2  }
0x91: {  	(xrf0) =	vmax.scan.msk.f32 $0xffff, v6  }
0x92: {  	(xrf0) =	vmax.scan.msk.f32 $0xffff, v7  }
0x93: {  	(xrf0) =	vmax.scan.msk.f32 $0xffff, v5  }
0x94: {  	v10, _, _ =	vpop (xrf0);
	(xrf0) =	vmax.scan.msk.f32 $0xffff, v4  }
0x95: {  	v17 =	vbroadcast v10, $0xF;
	v23, _, _ =	vpop (xrf0);
	(xrf0) =	vmax.scan.msk.f32 $0xffff, v3  }
0x96: {  	v15 =	vbroadcast v23, $0xF;
	v24, _, _ =	vpop (xrf0)  }
0x97: {  	vm0 =	veq.f32 v9, v17;
	v10 =	vbroadcast v24, $0xF;
	v11, _, _ =	vpop (xrf0)  }
0x98: {  	v19 =	vnsel vm0, $0x80000010, v1;
	vm0 =	veq.f32 v8, v15;
	v13 =	vbroadcast v11, $0xF;
	v25, _, _ =	vpop (xrf0)  }
0x99: {  	v18 =	vnsel vm0, $0x80000010, v1;
	v16 =	vbroadcast v25, $0xF;
	vm0 =	veq.f32 v2, v10;
	(xrf0) =	vmin.scan.msk.u32 $0xffff, v19;
	v26, _, _ =	vpop (xrf0)  }
0x9a: {  	vm1 =	veq.f32 v6, v13;
	v14 =	vbroadcast v26, $0xF;
	v27 =	vnsel vm0, $0x80000010, v1;
	(xrf0) =	vmin.scan.msk.u32 $0xffff, v18;
	v12, _, _ =	vpop (xrf0)  }
0x9b: {  	vm0 =	veq.f32 v7, v16;
	v28 =	vnsel vm1, $0x80000010, v1;
	v12 =	vbroadcast v12, $0xF;
	v29, _, _ =	vpop (xrf0);
	(xrf0) =	vmin.scan.msk.u32 $0xffff, v27  }
0x9c: {  	v20 =	vnsel vm0, $0x80000010, v1;
	vm0 =	veq.f32 v5, v14;
	v11 =	vbroadcast v29, $0xF;
	(xrf0) =	vmin.scan.msk.u32 $0xffff, v28  }
0x9d: {  	v30 =	vnsel vm0, $0x80000010, v1;
	vm0 =	veq.f32 v4, v12;
	(xrf0) =	vmin.scan.msk.u32 $0xffff, v20  }
0x9e: {  	v21 =	vnsel vm0, $0x80000010, v1;
	vm0 =	veq.f32 v3, v11;
	(xrf0) =	vmin.scan.msk.u32 $0xffff, v30  }
0x9f: {  	v22 =	vnsel vm0, $0x80000010, v1;
	v31, _, _ =	vpop (xrf0);
	(xrf0) =	vmin.scan.msk.u32 $0xffff, v21  }
0xa0: {  	(v2sf) =	vpush v31, $0xF;
	v32, _, _ =	vpop (xrf0);
	(xrf0) =	vmin.scan.msk.u32 $0xffff, v22  }
0xa1: {  	(v2sf) =	vpush v32, $0xF;
	v33, _, _ =	vpop (xrf0)  }
0xa2: {  	v34, _, _ =	vpop (xrf0);
	(v2sf) =	vpush v33, $0xF  }
0xa3: {  	v35, _, _ =	vpop (xrf0);
	(v2sf) =	vpush v34, $0xF  }
0xa4: {  	(v2sf) =	vpush v35, $0xF;
	v36, _, _ =	vpop (xrf0)  }
0xa5: {  	(v2sf) =	vpush v36, $0xF;
	v37, _, _ =	vpop (xrf0)  }
0xa6: {  	(v2sf) =	vpush v37, $0xF;
	v38, _, _ =	vpop (xrf0)  }
0xa7: {  	(v2sf) =	vpush v38, $0xF;
	_ =	sdelay $0x7  }
0xa8: {  	s8 =	spop (v2sf)  }
0xa9: {  	s15 =	sxor.u32 $0x80000000, s8;
	s25 =	spop (v2sf)  }
0xaa: {  	v39 =	vmov s15;
	s9 =	spop (v2sf)  }
0xab: {  	s14 =	sxor.u32 $0x80000000, s25;
	vm6 =	veq.s32 v39, v0;
	s26 =	spop (v2sf)  }
0xac: {  	v40 =	vmov s14;
	v18 =	vsel vm6, $0xBF800000, v9;
	s10 =	spop (v2sf)  }
0xad: {  	vm5 =	veq.s32 v40, v0;
	s13 =	sxor.u32 $0x80000000, s10;
	(xrf0) =	vmax.scan.msk.f32 $0xffff, v18;
	s28 =	spop (v2sf)  }
0xae: {  	s12 =	sxor.u32 $0x80000000, s26;
	v19 =	vsel vm5, $0xBF800000, v8;
	v41 =	vmov s13;
	s16 =	spop (v2sf)  }
0xaf: {  	v42 =	vmov s12;
	(xrf0) =	vmax.scan.msk.f32 $0xffff, v19;
	vm3 =	veq.s32 v41, v0;
	s29 =	spop (v2sf)  }
0xb0: {  	v43 =	vimm.s32 $0x0;
	vm0 =	veq.s32 v42, v0;
	v20 =	vsel vm3, $0xBF800000, v7;
	s8 =	sxor.u32 $0x80000000, s29  }
0xb1: {  	s11 =	sxor.u32 $0x80000000, s28;
	v21 =	vsel vm0, $0xFFFFFFFF, v43;
	v44 =	vmov s8;
	(xrf0) =	vmax.scan.msk.f32 $0xffff, v20  }
0xb2: {  	v45 =	vsel vm0, $0xBF800000, v6;
	v24 =	vmov s11;
	vm0 =	veq.s32 v44, v0  }
0xb3: {  	vm1 =	veq.s32 v24, v0;
	v48 =	vsel vm0, $0xBF800000, v3;
	v23, _, _ =	vpop (xrf0);
	(xrf0) =	vmax.scan.msk.f32 $0xffff, v45  }
0xb4: {  	v51 =	vld [tilespmem:$0x1FF00];
	s30 =	sxor.u32 $0x80000000, s16;
	v24 =	vsel vm1, $0xBF800000, v5;
	(xrf0) =	vmax.scan.msk.f32 $0xffff, v48  }
0xb5: {  	v46 =	vimm.s32 $0x0;
	v27 =	vmov s30;
	v28 =	vbroadcast v23, $0xF;
	v25, _, _ =	vpop (xrf0);
	(xrf0) =	vmax.scan.msk.f32 $0xffff, v24  }
0xb6: {  	s9 =	sxor.u32 $0x80000000, s9;
	[tilespmem:$0x1FEC0] =	vst v21;
	v21 =	vsel vm0, $0xFFFFFFFF, v46;
	vm0 =	veq.s32 v27, v0;
	v29 =	vbroadcast v25, $0xF  }
0xb7: {  	v54 =	vmov s9;
	v49 =	vsel vm0, $0xBF800000, v4;
	vm12 =	veq.f32 v18, v28;
	v52, _, _ =	vpop (xrf0)  }
0xb8: {  	v50 =	vnsel vm12, $0x80000010, v1;
	(xrf0) =	vmax.scan.msk.f32 $0xffff, v49;
	vm12 =	veq.f32 v19, v29;
	v53 =	vbroadcast v52, $0xF  }
0xb9: {  	vm7 =	vnez.u8 v51;
	vm2 =	veq.s32 v54, v0;
	(xrf0) =	vmin.scan.msk.u32 $0xffff, v50;
	v55 =	vnsel vm12, $0x80000010, v1;
	v57, _, _ =	vpop (xrf0)  }
0xba: {  	v56 =	vld [tilespmem:$0x1FF10];
	v58 =	vsel vm2, $0xBF800000, v2;
	v17 =	vsel vm7, v17, v28;
	(xrf0) =	vmin.scan.msk.u32 $0xffff, v55;
	vm7 =	veq.f32 v20, v53;
	v59, _, _ =	vpop (xrf0)  }
0xbb: {  	v60 =	vld [tilespmem:$0x1FF20];
	v61 =	vnsel vm7, $0x80000010, v1;
	v62, _, _ =	vpop (xrf0);
	(xrf0) =	vmax.scan.msk.f32 $0xffff, v58  }
0xbc: {  	v63 =	vld [tilespmem:$0x1FF30];
	(xrf0) =	vmin.scan.msk.u32 $0xffff, v61;
	_ =	sdelay $0x1  }
0xbd: {  	v31 =	vld [tilespmem:$0x1FF40];
	v33, _, _ =	vpop (xrf0)  }
0xbe: {  	v47 =	vimm.s32 $0x0;
	vm10 =	vnez.u8 v56;
	v35 =	vld [tilespmem:$0x1FF50];
	v34, _, _ =	vpop (xrf0)  }
0xbf: {  	v30 =	vimm.s32 $0x0;
	v18 =	vbroadcast v57, $0xF;
	(v2sf) =	vpush v34, $0xF;
	v39, _, _ =	vpop (xrf0)  }
0xc0: {  	vm9 =	vnez.u8 v60;
	vm14 =	vnez.u8 v63;
	v26 =	vsel vm0, $0xFFFFFFFF, v30;
	v42, _, _ =	vpop (xrf0)  }
0xc1: {  	v17 =	vsel vm10, v17, v29;
	vm7 =	veq.f32 v45, v18;
	(v2sf) =	vpush v39, $0xF;
	v45, _, _ =	vpop (xrf0)  }
0xc2: {  	v38 =	vld [tilespmem:$0x1FF60];
	v15 =	vsel vm9, v17, v15;
	v32 =	vnsel vm7, $0x80000010, v1;
	(v2sf) =	vpush v45, $0xF  }
0xc3: {  	v40 =	vld [tilespmem:$0x1FF70];
	vm10 =	vnez.u8 v31;
	vm12 =	vnez.u8 v35;
	v15 =	vsel vm14, v15, v53;
	(xrf0) =	vmin.scan.msk.u32 $0xffff, v32  }
0xc4: {  	v43 =	vld [tilespmem:$0x1FF80];
	v23 =	vbroadcast v59, $0xF;
	v15 =	vsel vm10, v15, v16;
	v30 =	vbroadcast v62, $0xF  }
0xc5: {  	v46 =	vld [tilespmem:$0x1FF90];
	[tilespmem:$0x1FEF0] =	vst v21;
	v21 =	vsel vm1, $0xFFFFFFFF, v47;
	v36 =	vsel vm12, v15, v18  }
0xc6: {  	v47 =	vld [tilespmem:$0x1FFA0];
	vm7 =	veq.f32 v48, v23;
	vm8 =	veq.f32 v24, v30;
	v17 =	vbroadcast v33, $0xF  }
0xc7: {  	[tilespmem:$0x1FED0] =	vst v21;
	v50 =	vld [tilespmem:$0x1FFC0];
	v21 =	vnsel vm7, $0x80000010, v1;
	v37 =	vnsel vm8, $0x80000010, v1;
	vm8 =	vnez.u8 v38  }
0xc8: {  	vm0 =	vnez.u8 v40;
	v53 =	vld [tilespmem:$0x1FFD0];
	(xrf0) =	vmin.scan.msk.u32 $0xffff, v21;
	v13 =	vsel vm8, v36, v13;
	vm11 =	veq.f32 v49, v17  }
0xc9: {  	v55 =	vld [tilespmem:$0x1FFF0];
	(xrf0) =	vmin.scan.msk.u32 $0xffff, v37;
	v13 =	vsel vm0, v13, v30;
	v41 =	vnsel vm11, $0x80000010, v1;
	vm11 =	vnez.u8 v43;
	v49, _, _ =	vpop (xrf0)  }
0xca: {  	vm1 =	vnez.u8 v46;
	v19 =	vsel vm11, v13, v14;
	(v2sf) =	vpush v49, $0xF  }
0xcb: {  	vm13 =	vnez.u8 v47;
	v17 =	vsel vm1, v19, v17  }
0xcc: {  	vm4 =	vnez.u8 v50;
	v44 =	vbroadcast v42, $0xF;
	v48 =	vsel vm13, v17, v12  }
0xcd: {  	vm15 =	vnez.u8 v53;
	v17 =	vsel vm4, v48, v23  }
0xce: {  	vm7 =	veq.f32 v58, v44;
	v52, _, _ =	vpop (xrf0);
	vm4 =	vnez.u8 v55;
	v16 =	vsel vm15, v17, v11;
	s31 =	spop (v2sf)  }
0xcf: {  	v51 =	vnsel vm7, $0x80000010, v1;
	v54, _, _ =	vpop (xrf0);
	(v2sf) =	vpush v52, $0xF;
	v13 =	vsel vm4, v16, v42;
	s16 =	sxor.u32 $0x80000000, s31  }
0xd0: {  	(xrf0) =	vmin.scan.msk.u32 $0xffff, v41;
	(v2sf) =	vpush v54, $0xF;
	vm4 =	vcmask $0x373C;
	s17 =	spop (v2sf);
	v58 =	vmov s16  }
0xd1: {  	v10 =	vsel vm4, v13, v10;
	vm4 =	veq.s32 v0, $0x0;
	vm7 =	veq.s32 v58, v0;
	s19 =	spop (v2sf)  }
0xd2: {  	[tilespmem:$0x180] =	vst v10;
	s18 =	sxor.u32 $0x80000000, s17;
	v10 =	vsel vm4, s15, v58;
	vm6 =	vmor vm6, vm7;
	vm7 =	vcmask $0xF0C;
	s20 =	sxor.u32 $0x80000000, s19  }
0xd3: {  	v10 =	vsel vm7, s18, v10;
	v60 =	vmov s20  }
0xd4: {  	v10 =	vnsel vm9, s14, v10;
	vm9 =	veq.s32 v60, v0  }
0xd5: {  	vm3 =	vmor vm3, vm9  }
0xd6: {  	v56, _, _ =	vpop (xrf0);
	v7 =	vnsel vm3, $0x0, v7  }
0xd7: {  	(v2sf) =	vpush v56, $0xF;
	[tilespmem:$0xA0] =	vst v7;
	v7 =	vld [tilespmem:$0x1FEC0];
	_ =	sdelay $0x1  }
0xd8: {  	s21 =	spop (v2sf);
	v10 =	vnsel vm14, s20, v10  }
0xd9: {  	v9 =	vnsel vm6, $0x0, v9;
	s22 =	sxor.u32 $0x80000000, s21;
	v61 =	vnsel vm10, s13, v10  }
0xda: {  	[tilespmem:$0x80] =	vst v9;
	v62 =	vmov s22;
	v9 =	vnsel vm12, s22, v61  }
0xdb: {  	vm12 =	vmmov vm2;
	vm3 =	veq.s32 v62, v0;
	vm2 =	vnez.u8 v7  }
0xdc: {  	vm2 =	vmor vm2, vm3  }
0xdd: {  	(xrf0) =	vmin.scan.msk.u32 $0xffff, v51;
	v6 =	vnsel vm2, $0x0, v6  }
0xde: {  	[tilespmem:$0xB0] =	vst v6;
	v6 =	vld [tilespmem:$0x1FED0]  }
0xdf: {  	v59 =	vmov s18;
	s23 =	spop (v2sf)  }
0xe0: {  	vm6 =	veq.s32 v59, v0;
	s24 =	spop (v2sf)  }
0xe1: {  	vm5 =	vmor vm5, vm6;
	s25 =	sxor.u32 $0x80000000, s24  }
0xe2: {  	v8 =	vnsel vm5, $0x0, v8;
	v63 =	vnsel vm8, s12, v9;
	v7 =	vmov s25  }
0xe3: {  	v57, _, _ =	vpop (xrf0);
	[tilespmem:$0x90] =	vst v8;
	v8 =	vnsel vm0, s25, v63;
	vm2 =	veq.s32 v7, v0;
	vm0 =	vnez.u8 v6  }
0xe4: {  	(v2sf) =	vpush v57, $0xF;
	vm2 =	vmor vm0, vm2  }
0xe5: {  	[tilespmem:$0x1FEE0] =	vst v26;
	s26 =	spop (v2sf);
	v5 =	vnsel vm2, $0x0, v5  }
0xe6: {  	s28 =	sxor.u32 $0x80000000, s26;
	v7 =	vnsel vm11, s11, v8;
	[tilespmem:$0xC0] =	vst v5;
	v5 =	vld [tilespmem:$0x1FEE0]  }
0xe7: {  	v7 =	vnsel vm1, s28, v7;
	v6 =	vmov s28  }
0xe8: {  	vm2 =	veq.s32 v6, v0;
	v6 =	vnsel vm13, s30, v7;
	v7 =	vld [tilespmem:$0x1FFC0];
	_ =	sdelay $0x2  }
0xe9: {  	vm0 =	vnez.u8 v5  }
0xea: {  	vm1 =	vmor vm0, vm2  }
0xeb: {  	s29 =	sxor.u32 $0x80000000, s23;
	vm0 =	vnez.u8 v7;
	v4 =	vnsel vm1, $0x0, v4  }
0xec: {  	v5 =	vmov s29;
	v6 =	vnsel vm0, s29, v6;
	[tilespmem:$0xD0] =	vst v4;
	v4 =	vld [tilespmem:$0x1FEF0]  }
0xed: {  	vm1 =	veq.s32 v5, v0;
	v5 =	vnsel vm15, s8, v6;
	v6 =	vld [tilespmem:$0x1FFF0];
	_ =	sdelay $0x1  }
0xee: {  	p0 =	sne.s32 s5, $0x1  }
.Ltmp1:
0xef: {  	_ = 	snop;
	(pc) =	sbr.rel @p0 .LBB2_1-.Ltmp1, $4  }
0xf0: {  	s30 =	spop (v2sf);
	vm0 =	vnez.u8 v4  }
0xf1: {  	s31 =	sxor.u32 $0x80000000, s30;
	vm0 =	vmor vm0, vm1;
	vm1 =	vnez.u8 v6  }
0xf2: {  	s6 =	rddreg [dreg:$0x5];
	v4 =	vmov s31;
	v5 =	vnsel vm1, s31, v5;
	vm1 =	vcmask $0x373C  }
0xf3: {  	s5 =	sadd.s32 $0xFFFFFFFF, s5;
	s7 =	rddreg [dreg:$0x6];
	v3 =	vnsel vm0, $0x0, v3;
	vm0 =	veq.s32 v4, v0;
	v4 =	vnsel vm1, s9, v5  }
.LBB2_2:
0xf4: {  	vm0 =	vmor vm12, vm0;
	[tilespmem:$0x100] =	vst v4  }
0xf5: {  	[tilespmem:$0xE0] =	vst v3;
	v0 =	vnsel vm0, $0x0, v2  }
0xf6: {  	[tilespmem:$0xF0] =	vst v0  }
0xf7: {  	[hbm4b:s6+s2] =	stream.linear.scatter [tilespmem:s7], [sflag:$0x1], $0x80, $0x38;
	[tilespmem:$0x200] =	vst v63  }
0xf8: {  	_ =	swait.ge [sflag:s3], $0x80  }
0xf9: {  	s5 =	rddreg [dreg:$0x7];
	[sflag:s3] =	ssyncset.done $0x0  }
0xfa: {  	s30 =	rddreg [dreg:$0x8];
	[sflag:s3] =	ssyncadd.s32 $0xFFFFFF80  }
0xfb: {  	[hbm4b:s5+s2] =	stream.linear.scatter [tilespmem:s30], [sflag:$0x1], $0x10, $0x38;
	[tilespmem:$0x200] =	vst v63  }
0xfc: {  	_ =	swait.ge [sflag:s3], $0x10  }
0xfd: {  	[sflag:s3] =	ssyncset.done $0x0  }
0xfe: {  	s31 =	rddreg [dreg:$0x9];
	[sflag:s3] =	ssyncadd.s32 $0xFFFFFFF0  }
0xff: {  	[hbm4b:s31+s2] =	stream.linear.scatter [tilespmem:s4], [sflag:$0x1], $0x10, $0x38;
	[tilespmem:$0x200] =	vst v63  }
0x100: {  	_ =	swait.ge [sflag:s3], $0x10  }
0x101: {  	[sflag:s3] =	ssyncset.done $0x0  }
0x102: {  	[sflag:s3] =	ssyncadd.s32 $0xFFFFFFF0  }
0x103: {  	_ =	sfence.sel $0x180000  }
0x104: {  	[bflag:$0x0] =	sbarrier.arrive $0xFFFF  }
0x105: {  	p0 =	sne.s32 s0, $0x0;
	_ =	strace $0x90000047  }
0x106: {  	s0 =	sadd.s32 @!p0 $0x100000, s1;
	[bflag:$0x2] =	sbarrier.arrive $0xFFFF  }
0x107: {  	[sflag:s0] =	ssyncadd.tile.s32 @!p0 $0x1;
	_ =	shalt  }
.Lfunc_end2:
_tile_overlayer_lowered:
.L_overlay_start_2:
0x108: {  	(tag) =	ssettag $0x2  }
0x109: {  	s0 =	rddreg [dreg:$0x0];
	s2 =	stileid.u32  }
0x10a: {  	s1 =	rddreg [dreg:$0x1];
	p0 =	sne.s32 s2, $0x0  }
0x10b: {  	s3 =	rddreg [dreg:$0x2];
	[bflag:$0x3] =	sbarrier.arrive $0xFFFF;
	s2 =	simm.s32 @!p0 $0x1C01  }
0x10c: {  	[timem:s3], [sflag:s2] =	dma.local @!p0 [hbm:s0], s1  }
0x10d: {  	s0 =	simm.s32 @!p0 $0x1  }
0x10e: {  	_ =	swait.ge @!p0 [sflag:s0], s1  }
0x10f: {  	s1 =	ssub.s32 @!p0 $0x0, s1;
	[sflag:s0] =	ssyncset.done @!p0 $0x0  }
0x110: {  	[sflag:s0] =	ssyncadd.s32 @!p0 s1  }
0x111: {  	[bflag:$0x3] =	sbarrier.arrive $0xFFFF  }
0x112: {  	_ =	shalt  }

</sc_bundles>
